<compile_context>
chip_gen: v7x
topology: tpu7x:2x2x1
jax: 0.10.2.dev20260603
libtpu: 0.0.44.dev20260713+nightly
codegen_flags: <defaults>
</compile_context>

<pallas_src>
import functools

import jax
import jax.numpy as jnp
from jax import lax
from jax.experimental import pallas as pl
from jax.experimental.pallas import tpu as pltpu
from jax.experimental.pallas import tpu_sc as plsc

B, M, L = 1024, 4, 200
V, H, P = 100000, 64, 26
SEG = B * M
CHUNKS = ((0, 128), (128, 72))
PP = 32
LANE = 16

_ROWS = 4096


def _pack_bf16(x):
    u = lax.bitcast_convert_type(x, jnp.uint32)
    r = (u + jnp.uint32(0x7FFF) + ((u >> 16) & jnp.uint32(1))) >> 16
    return r[:, :H // 2] | (r[:, H // 2:] << 16)


def _proj_body(a_ref, f_ref, w_ref, b_ref, z_ref):
    wa = w_ref[:H, :]
    wf = w_ref[H:, :]
    dn = (((0,), (0,)), ((), ()))
    xa = lax.dot_general(a_ref[...], wa, dn,
                         preferred_element_type=jnp.float32) + b_ref[...]
    xf = lax.dot_general(f_ref[...], wf, dn,
                         preferred_element_type=jnp.float32)
    z_ref[:, :H // 2] = _pack_bf16(xa)
    z_ref[:, H // 2:H] = _pack_bf16(xf)


def _project_tables(atom_emb, fp_emb, W_in, b_in):
    z = pl.pallas_call(
        _proj_body,
        grid=(pl.cdiv(V, _ROWS),),
        in_specs=[
            pl.BlockSpec((H, _ROWS), lambda i: (0, i)),
            pl.BlockSpec((H, _ROWS), lambda i: (0, i)),
            pl.BlockSpec((2 * H, H), lambda i: (0, 0)),
            pl.BlockSpec((1, H), lambda i: (0, 0)),
        ],
        out_specs=pl.BlockSpec((_ROWS, 2 * H), lambda i: (i, 0)),
        out_shape=jax.ShapeDtypeStruct((V, 2 * H), jnp.uint32),
    )(atom_emb.T, fp_emb.T, W_in, b_in.reshape(1, H))
    return z.reshape(4 * V, H // 2)


def _sc_gather_sum(z, idx_a, idx_f):
    info = plsc.get_sparse_core_info()
    NC, NS = info.num_cores, info.num_subcores
    NW = NC * NS
    spw = SEG // NW
    bpw = B // NW

    @functools.partial(
        pl.kernel,
        mesh=plsc.VectorSubcoreMesh(core_axis_name="c", subcore_axis_name="s"),
        out_type=jax.ShapeDtypeStruct((SEG, H), jnp.float32),
        compiler_params=pltpu.CompilerParams(use_tc_tiling_on_sc=False),
        scratch_types=[
            pltpu.VMEM((bpw, M, L), jnp.int32),
            pltpu.VMEM((bpw, M, L), jnp.int32),
            pltpu.VMEM((2, L, H // 2), jnp.uint32),
            pltpu.VMEM((2, L, H // 2), jnp.uint32),
            pltpu.VMEM((spw, H), jnp.float32),
            pltpu.SemaphoreType.DMA,
            pltpu.SemaphoreType.DMA,
        ],
    )
    def k(z_hbm, ia_hbm, if_hbm, out_hbm,
          ia_v, if_v, pa_v, pf_v, out_v, sem0, sem1):
        sems = (sem0, sem1)
        wid = lax.axis_index("s") * NC + lax.axis_index("c")
        base = wid * spw

        pltpu.sync_copy(ia_hbm.at[pl.ds(wid * bpw, bpw)], ia_v)
        pltpu.sync_copy(if_hbm.at[pl.ds(wid * bpw, bpw)], if_v)

        def copies(s, b):
            bb = s // M
            m = s % M
            cs = []
            for off, sz in CHUNKS:
                cs.append(pltpu.make_async_copy(
                    z_hbm.at[ia_v.at[bb, m, pl.ds(off, sz)]],
                    pa_v.at[b, pl.ds(off, sz)], sems[b]))
                cs.append(pltpu.make_async_copy(
                    z_hbm.at[if_v.at[bb, m, pl.ds(off, sz)]],
                    pf_v.at[b, pl.ds(off, sz)], sems[b]))
            return cs

        def issue(s, b):
            for cp in copies(s, b):
                cp.start()

        def drain(s, b):
            for cp in copies(s, b):
                cp.wait()

        def compute(s, b):
            def unpack(w):
                lo = lax.bitcast_convert_type(w << 16, jnp.float32)
                hi = lax.bitcast_convert_type(w, jnp.float32)
                return lo, hi

            def one(i, acc):
                nxt = []
                for j in range(H // (2 * LANE)):
                    a_lo, a_hi = unpack(pa_v[b, i, pl.ds(j * LANE, LANE)])
                    f_lo, f_hi = unpack(pf_v[b, i, pl.ds(j * LANE, LANE)])
                    nxt.append(acc[2 * j] + jnp.maximum(a_lo + f_lo, 0.0))
                    nxt.append(acc[2 * j + 1] + jnp.maximum(a_hi + f_hi, 0.0))
                return tuple(nxt)

            def body(i, acc):
                return one(2 * i + 1, one(2 * i, acc))

            zero = jnp.zeros((LANE,), jnp.float32)
            acc = lax.fori_loop(0, L // 2, body, (zero,) * (H // LANE))
            out_v[s, pl.ds(0 * LANE, LANE)] = acc[0]
            out_v[s, pl.ds(1 * LANE, LANE)] = acc[2]
            out_v[s, pl.ds(2 * LANE, LANE)] = acc[1]
            out_v[s, pl.ds(3 * LANE, LANE)] = acc[3]

        issue(0, 0)

        def step(t, carry):
            s0 = 2 * t
            drain(s0, 0)
            issue(s0 + 1, 1)
            compute(s0, 0)
            s1 = s0 + 1
            drain(s1, 1)

            @pl.when(t < spw // 2 - 1)
            def _():
                issue(s1 + 1, 0)

            compute(s1, 1)
            return carry

        lax.fori_loop(0, spw // 2, step, 0)
        pltpu.sync_copy(out_v, out_hbm.at[pl.ds(base, spw)])

    return k(z, idx_a, idx_f)


def _tail_body(s_ref, pv_ref, r_ref, gh_ref, bh_ref, gp_ref, bp_ref,
               w1a_ref, w1b_ref, b1_ref, w2_ref, b2_ref, y_ref):
    r = r_ref[...]
    w = r / (jnp.sum(r, axis=1, keepdims=True) + 1e-8)
    wl = w * (1.0 / L)

    mix_h = jnp.zeros((B, H), jnp.float32)
    mix_p = jnp.zeros((B, PP), jnp.float32)
    for m in range(M):
        sm = s_ref[:, m * H:(m + 1) * H]
        pv = jnp.nan_to_num(pv_ref[:, m * PP:(m + 1) * PP],
                            nan=0.0, posinf=1000.0, neginf=-1000.0)
        mix_h = mix_h + wl[:, m:m + 1] * sm
        mix_p = mix_p + w[:, m:m + 1] * pv

    n = float(H + P)
    mu = (jnp.sum(mix_h, axis=1, keepdims=True)
          + jnp.sum(mix_p, axis=1, keepdims=True)) * (1.0 / n)
    ch = mix_h - mu
    cp = mix_p - mu
    sq = (jnp.sum(ch * ch, axis=1, keepdims=True)
          + jnp.sum(cp * cp, axis=1, keepdims=True)
          - float(PP - P) * mu * mu)
    inv = lax.rsqrt(sq * (1.0 / n) + 1e-5)
    znh = ch * inv * gh_ref[...] + bh_ref[...]
    znp = cp * inv * gp_ref[...] + bp_ref[...]

    h = jnp.maximum(
        jnp.dot(znh, w1a_ref[...], preferred_element_type=jnp.float32)
        + jnp.dot(znp, w1b_ref[...], preferred_element_type=jnp.float32)
        + b1_ref[...], 0.0)
    y = jnp.dot(h, w2_ref[...], preferred_element_type=jnp.float32) + b2_ref[...]
    y_ref[...] = jnp.nan_to_num(y)


def _tail(S, pv, ratios, ln_g, ln_b, W1, b1, W2, b2):
    gh = ln_g[:H].reshape(1, H)
    bh = ln_b[:H].reshape(1, H)
    gp = jnp.pad(ln_g[H:], (0, PP - P)).reshape(1, PP)
    bp = jnp.pad(ln_b[H:], (0, PP - P)).reshape(1, PP)
    w1a = W1[:H]
    w1b = jnp.pad(W1[H:], ((0, PP - P), (0, 0)))
    pvp = jnp.pad(pv, ((0, 0), (0, 0), (0, PP - P))).reshape(B, M * PP)
    return pl.pallas_call(
        _tail_body,
        out_shape=jax.ShapeDtypeStruct((B, 1), jnp.float32),
    )(S.reshape(B, M * H), pvp, ratios, gh, bh, gp, bp,
      w1a, w1b, b1.reshape(1, H), W2, b2.reshape(1, 1))


def kernel(atom_features, fingerprints, physicochemical, ratios,
           atom_emb, fp_emb, W_in, b_in, ln_g, ln_b, W1, b1, W2, b2):
    z = _project_tables(atom_emb, fp_emb, W_in, b_in)
    ia = atom_features.astype(jnp.int32) * 4
    fi = fingerprints.astype(jnp.int32) * 4 + 1
    S = _sc_gather_sum(z, ia, fi)
    return _tail(S, physicochemical, ratios, ln_g, ln_b, W1, b1, W2, b2)

# --- scband reference (transcript-rebuilt; emitter-appended) ---
"""Pipeline reference for scband-simple-mean-mix-49323404427793 (READ-ONLY COPY).

The authoritative reference and input builder live on the scoring server;
editing this copy changes nothing except your own understanding.
"""

import jax, jax.numpy as jnp
import numpy as np

B, M, L = 1024, 4, 200
V, H, P = 100000, 64, 26

def _xavier(k, shape):
    fan_in, fan_out = shape[0], shape[1]
    lim = float(np.sqrt(6.0 / (fan_in + fan_out)))
    return jax.random.uniform(k, shape, jnp.float32, -lim, lim)

def setup_inputs(seed: int = 0):
    key = jax.random.key(seed)
    ks = jax.random.split(key, 10)
    atom_features = jax.random.randint(ks[0], (B, M, L), 0, V)
    fingerprints = jax.random.randint(ks[1], (B, M, L), 0, V)
    physicochemical = jax.random.normal(ks[2], (B, M, P), dtype=jnp.float32)
    ratios = jax.random.uniform(ks[3], (B, M), dtype=jnp.float32)
    atom_emb = _xavier(ks[4], (V, H))
    fp_emb = _xavier(ks[5], (V, H))
    W_in = _xavier(ks[6], (2 * H, H))
    b_in = jnp.zeros((H,), jnp.float32)
    ln_g = jnp.ones((H + P,), jnp.float32)
    ln_b = jnp.zeros((H + P,), jnp.float32)
    W1 = _xavier(ks[7], (H + P, H))
    b1 = jnp.zeros((H,), jnp.float32)
    W2 = _xavier(ks[8], (H, 1))
    b2 = jnp.zeros((1,), jnp.float32)
    return {"atom_features": atom_features, "fingerprints": fingerprints,
            "physicochemical": physicochemical, "ratios": ratios,
            "atom_emb": atom_emb, "fp_emb": fp_emb, "W_in": W_in, "b_in": b_in,
            "ln_g": ln_g, "ln_b": ln_b, "W1": W1, "b1": b1, "W2": W2, "b2": b2}

def reference(atom_features, fingerprints, physicochemical, ratios,
              atom_emb, fp_emb, W_in, b_in, ln_g, ln_b, W1, b1, W2, b2):
    # per-atom embeddings: gather from two tables, concat, project, relu
    ea = jnp.take(atom_emb, atom_features, axis=0)   # [B,M,L,H]
    ef = jnp.take(fp_emb, fingerprints, axis=0)      # [B,M,L,H]
    x = jnp.concatenate([ea, ef], axis=-1)           # [B,M,L,2H]
    x = jax.nn.relu(x @ W_in + b_in)                 # [B,M,L,H]
    mol = x.mean(axis=2)                             # [B,M,H] mean over atoms
    pv = jnp.nan_to_num(physicochemical, nan=0.0, posinf=1000.0, neginf=-1000.0)
    w = ratios / (jnp.sum(ratios, axis=1, keepdims=True) + 1e-8)  # [B,M]
    mix_h = jnp.sum(w[..., None] * mol, axis=1)      # [B,H]
    mix_p = jnp.sum(w[..., None] * pv, axis=1)       # [B,P]
    z = jnp.concatenate([mix_h, mix_p], axis=-1)     # [B,H+P]
    mu = z.mean(axis=-1, keepdims=True)
    var = jnp.mean((z - mu) ** 2, axis=-1, keepdims=True)
    zn = (z - mu) / jnp.sqrt(var + 1e-5) * ln_g + ln_b
    h = jax.nn.relu(zn @ W1 + b1)
    y = h @ W2 + b2                                  # [B,1]
    return jnp.nan_to_num(y)

if __name__ == "__main__":
    import jax
    _d = setup_inputs()
    print(jax.jit(kernel)(*tuple(_d.values())))

</pallas_src>

<mosaic_0001>
#map = affine_map<(d0, d1) -> (0, 0)>
#map1 = affine_map<(d0, d1) -> (0, 0, 0)>
module attributes {stable_mosaic.version = 14 : i64} {
  func.func @k(%arg0: i32, %arg1: i32, %arg2: memref<400000x32xi32, #tpu.memory_space<hbm>>, %arg3: memref<1024x4x200xi32, #tpu.memory_space<hbm>>, %arg4: memref<1024x4x200xi32, #tpu.memory_space<hbm>>, %arg5: memref<4096x64xf32, #tpu.memory_space<hbm>>, %arg6: memref<32x4x200xi32, #tpu.memory_space<vmem>>, %arg7: memref<32x4x200xi32, #tpu.memory_space<vmem>>, %arg8: memref<2x200x32xi32, #tpu.memory_space<vmem>>, %arg9: memref<2x200x32xi32, #tpu.memory_space<vmem>>, %arg10: memref<128x64xf32, #tpu.memory_space<vmem>>, %arg11: memref<!tpu.dma_semaphore, #tpu.memory_space<semaphore_mem>>, %arg12: memref<!tpu.dma_semaphore, #tpu.memory_space<semaphore_mem>>) attributes {dimension_semantics = [#tpu.dimension_semantics<core_parallel>, #tpu.dimension_semantics<subcore_parallel>], iteration_bounds = array<i64: 2, 16>, scalar_prefetch = 0 : i64, scratch_operands = 7 : i64, tpu.core_type = #tpu.core_type<sc_vector_subcore>, window_params = [{transform_indices = #map}, {transform_indices = #map1}, {transform_indices = #map1}, {transform_indices = #map}]} {
    %mul3A = arith.constant 2 : i32
    %mul3A_0 = arith.muli %arg1, %mul3A : i32
    %add3A = arith.addi %mul3A_0, %arg0 : i32
    %mul3A_1 = arith.constant 128 : i32
    %mul3A_2 = arith.muli %add3A, %mul3A_1 : i32
    %mul3A_3 = arith.constant 32 : i32
    %mul3A_4 = arith.muli %add3A, %mul3A_3 : i32
    "tpu.region"() ({
      %run_scoped3A = tpu.sem_alloc : memref<!tpu.dma_semaphore, #tpu.memory_space<semaphore_mem>>
      %dma_start3A_63 = arith.constant 0 : i32
      %dma_start3A_64 = arith.constant 0 : i32
      %dma_start3A_65 = tpu.memref_slice %arg3[%mul3A_4, %dma_start3A_63, %dma_start3A_64] : memref<1024x4x200xi32, #tpu.memory_space<hbm>> -> memref<32x4x200xi32, #tpu.memory_space<hbm>>
      %dma_start3A_66 = arith.constant 0 : i32
      %dma_start3A_67 = arith.constant 0 : i32
      %dma_start3A_68 = tpu.memref_slice %arg3[%mul3A_4, %dma_start3A_66, %dma_start3A_67] : memref<1024x4x200xi32, #tpu.memory_space<hbm>> -> memref<32x4x200xi32, #tpu.memory_space<hbm>>
      tpu.enqueue_dma source(%dma_start3A_68 : memref<32x4x200xi32, #tpu.memory_space<hbm>>) target(%arg6 : memref<32x4x200xi32, #tpu.memory_space<vmem>>) target_semaphore(%run_scoped3A : memref<!tpu.dma_semaphore, #tpu.memory_space<semaphore_mem>>)
      %dma_wait3A = arith.constant 0 : i32
      %dma_wait3A_69 = arith.constant 0 : i32
      %dma_wait3A_70 = tpu.memref_slice %arg3[%mul3A_4, %dma_wait3A, %dma_wait3A_69] : memref<1024x4x200xi32, #tpu.memory_space<hbm>> -> memref<32x4x200xi32, #tpu.memory_space<hbm>>
      %dma_wait3A_71 = arith.constant 0 : i32
      %dma_wait3A_72 = arith.constant 0 : i32
      %dma_wait3A_73 = tpu.memref_slice %arg3[%mul3A_4, %dma_wait3A_71, %dma_wait3A_72] : memref<1024x4x200xi32, #tpu.memory_space<hbm>> -> memref<32x4x200xi32, #tpu.memory_space<hbm>>
      tpu.wait_dma2 semaphore(%run_scoped3A : memref<!tpu.dma_semaphore, #tpu.memory_space<semaphore_mem>>) src(%dma_wait3A_73 : memref<32x4x200xi32, #tpu.memory_space<hbm>>) dst(%arg6 : memref<32x4x200xi32, #tpu.memory_space<vmem>>)
      tpu.yield
    }) : () -> ()
    %mul3A_5 = arith.constant 32 : i32
    %mul3A_6 = arith.muli %add3A, %mul3A_5 : i32
    "tpu.region"() ({
      %run_scoped3A = tpu.sem_alloc : memref<!tpu.dma_semaphore, #tpu.memory_space<semaphore_mem>>
      %dma_start3A_63 = arith.constant 0 : i32
      %dma_start3A_64 = arith.constant 0 : i32
      %dma_start3A_65 = tpu.memref_slice %arg4[%mul3A_6, %dma_start3A_63, %dma_start3A_64] : memref<1024x4x200xi32, #tpu.memory_space<hbm>> -> memref<32x4x200xi32, #tpu.memory_space<hbm>>
      %dma_start3A_66 = arith.constant 0 : i32
      %dma_start3A_67 = arith.constant 0 : i32
      %dma_start3A_68 = tpu.memref_slice %arg4[%mul3A_6, %dma_start3A_66, %dma_start3A_67] : memref<1024x4x200xi32, #tpu.memory_space<hbm>> -> memref<32x4x200xi32, #tpu.memory_space<hbm>>
      tpu.enqueue_dma source(%dma_start3A_68 : memref<32x4x200xi32, #tpu.memory_space<hbm>>) target(%arg7 : memref<32x4x200xi32, #tpu.memory_space<vmem>>) target_semaphore(%run_scoped3A : memref<!tpu.dma_semaphore, #tpu.memory_space<semaphore_mem>>)
      %dma_wait3A = arith.constant 0 : i32
      %dma_wait3A_69 = arith.constant 0 : i32
      %dma_wait3A_70 = tpu.memref_slice %arg4[%mul3A_6, %dma_wait3A, %dma_wait3A_69] : memref<1024x4x200xi32, #tpu.memory_space<hbm>> -> memref<32x4x200xi32, #tpu.memory_space<hbm>>
      %dma_wait3A_71 = arith.constant 0 : i32
      %dma_wait3A_72 = arith.constant 0 : i32
      %dma_wait3A_73 = tpu.memref_slice %arg4[%mul3A_6, %dma_wait3A_71, %dma_wait3A_72] : memref<1024x4x200xi32, #tpu.memory_space<hbm>> -> memref<32x4x200xi32, #tpu.memory_space<hbm>>
      tpu.wait_dma2 semaphore(%run_scoped3A : memref<!tpu.dma_semaphore, #tpu.memory_space<semaphore_mem>>) src(%dma_wait3A_73 : memref<32x4x200xi32, #tpu.memory_space<hbm>>) dst(%arg7 : memref<32x4x200xi32, #tpu.memory_space<vmem>>)
      tpu.yield
    }) : () -> ()
    %dma_start3A = arith.constant 0 : i32
    %dma_start3A_7 = arith.constant 0 : i32
    %dma_start3A_8 = arith.constant 0 : i32
    %dma_start3A_9 = arith.constant 0 : i32
    %dma_start3A_10 = arith.constant 0 : i32
    %dma_start3A_11 = tpu.memref_slice %arg8[%dma_start3A_8, %dma_start3A_9, %dma_start3A_10] : memref<2x200x32xi32, #tpu.memory_space<vmem>> -> memref<1x128x32xi32, #tpu.memory_space<vmem>>
    %dma_start3A_12 = tpu.memref_squeeze %dma_start3A_11 : memref<1x128x32xi32, #tpu.memory_space<vmem>> -> memref<128x32xi32, #tpu.memory_space<vmem>>
    %dma_start3A_13 = arith.constant 0 : i32
    %dma_start3A_14 = tpu.memref_slice %arg6[%dma_start3A, %dma_start3A_7, %dma_start3A_13] : memref<32x4x200xi32, #tpu.memory_space<vmem>> -> memref<1x1x128xi32, #tpu.memory_space<vmem>>
    %dma_start3A_15 = tpu.memref_squeeze %dma_start3A_14 : memref<1x1x128xi32, #tpu.memory_space<vmem>> -> memref<128xi32, #tpu.memory_space<vmem>>
    %dma_start3A_16 = arith.constant 0 : i32
    %dma_start3A_17 = arith.constant 0 : i32
    %dma_start3A_18 = tpu.memref_slice %arg2[%dma_start3A_16, %dma_start3A_17] : memref<400000x32xi32, #tpu.memory_space<hbm>> -> memref<400000x32xi32, #tpu.memory_space<hbm>>
    tpu.enqueue_indirect_dma source(%dma_start3A_18 : memref<400000x32xi32, #tpu.memory_space<hbm>>) target(%dma_start3A_12 : memref<128x32xi32, #tpu.memory_space<vmem>>) offsets(%dma_start3A_15 : memref<128xi32, #tpu.memory_space<vmem>>) semaphore(%arg11 : memref<!tpu.dma_semaphore, #tpu.memory_space<semaphore_mem>>)
    %dma_start3A_19 = arith.constant 0 : i32
    %dma_start3A_20 = arith.constant 0 : i32
    %dma_start3A_21 = arith.constant 0 : i32
    %dma_start3A_22 = arith.constant 0 : i32
    %dma_start3A_23 = arith.constant 0 : i32
    %dma_start3A_24 = tpu.memref_slice %arg9[%dma_start3A_21, %dma_start3A_22, %dma_start3A_23] : memref<2x200x32xi32, #tpu.memory_space<vmem>> -> memref<1x128x32xi32, #tpu.memory_space<vmem>>
    %dma_start3A_25 = tpu.memref_squeeze %dma_start3A_24 : memref<1x128x32xi32, #tpu.memory_space<vmem>> -> memref<128x32xi32, #tpu.memory_space<vmem>>
    %dma_start3A_26 = arith.constant 0 : i32
    %dma_start3A_27 = tpu.memref_slice %arg7[%dma_start3A_19, %dma_start3A_20, %dma_start3A_26] : memref<32x4x200xi32, #tpu.memory_space<vmem>> -> memref<1x1x128xi32, #tpu.memory_space<vmem>>
    %dma_start3A_28 = tpu.memref_squeeze %dma_start3A_27 : memref<1x1x128xi32, #tpu.memory_space<vmem>> -> memref<128xi32, #tpu.memory_space<vmem>>
    %dma_start3A_29 = arith.constant 0 : i32
    %dma_start3A_30 = arith.constant 0 : i32
    %dma_start3A_31 = tpu.memref_slice %arg2[%dma_start3A_29, %dma_start3A_30] : memref<400000x32xi32, #tpu.memory_space<hbm>> -> memref<400000x32xi32, #tpu.memory_space<hbm>>
    tpu.enqueue_indirect_dma source(%dma_start3A_31 : memref<400000x32xi32, #tpu.memory_space<hbm>>) target(%dma_start3A_25 : memref<128x32xi32, #tpu.memory_space<vmem>>) offsets(%dma_start3A_28 : memref<128xi32, #tpu.memory_space<vmem>>) semaphore(%arg11 : memref<!tpu.dma_semaphore, #tpu.memory_space<semaphore_mem>>)
    %dma_start3A_32 = arith.constant 0 : i32
    %dma_start3A_33 = arith.constant 0 : i32
    %dma_start3A_34 = arith.constant 0 : i32
    %dma_start3A_35 = arith.constant 128 : i32
    %dma_start3A_36 = arith.constant 0 : i32
    %dma_start3A_37 = tpu.memref_slice %arg8[%dma_start3A_34, %dma_start3A_35, %dma_start3A_36] : memref<2x200x32xi32, #tpu.memory_space<vmem>> -> memref<1x72x32xi32, #tpu.memory_space<vmem>>
    %dma_start3A_38 = tpu.memref_squeeze %dma_start3A_37 : memref<1x72x32xi32, #tpu.memory_space<vmem>> -> memref<72x32xi32, #tpu.memory_space<vmem>>
    %dma_start3A_39 = arith.constant 128 : i32
    %dma_start3A_40 = tpu.memref_slice %arg6[%dma_start3A_32, %dma_start3A_33, %dma_start3A_39] : memref<32x4x200xi32, #tpu.memory_space<vmem>> -> memref<1x1x72xi32, #tpu.memory_space<vmem>>
    %dma_start3A_41 = tpu.memref_squeeze %dma_start3A_40 : memref<1x1x72xi32, #tpu.memory_space<vmem>> -> memref<72xi32, #tpu.memory_space<vmem>>
    %dma_start3A_42 = arith.constant 0 : i32
    %dma_start3A_43 = arith.constant 0 : i32
    %dma_start3A_44 = tpu.memref_slice %arg2[%dma_start3A_42, %dma_start3A_43] : memref<400000x32xi32, #tpu.memory_space<hbm>> -> memref<400000x32xi32, #tpu.memory_space<hbm>>
    tpu.enqueue_indirect_dma source(%dma_start3A_44 : memref<400000x32xi32, #tpu.memory_space<hbm>>) target(%dma_start3A_38 : memref<72x32xi32, #tpu.memory_space<vmem>>) offsets(%dma_start3A_41 : memref<72xi32, #tpu.memory_space<vmem>>) semaphore(%arg11 : memref<!tpu.dma_semaphore, #tpu.memory_space<semaphore_mem>>)
    %dma_start3A_45 = arith.constant 0 : i32
    %dma_start3A_46 = arith.constant 0 : i32
    %dma_start3A_47 = arith.constant 0 : i32
    %dma_start3A_48 = arith.constant 128 : i32
    %dma_start3A_49 = arith.constant 0 : i32
    %dma_start3A_50 = tpu.memref_slice %arg9[%dma_start3A_47, %dma_start3A_48, %dma_start3A_49] : memref<2x200x32xi32, #tpu.memory_space<vmem>> -> memref<1x72x32xi32, #tpu.memory_space<vmem>>
    %dma_start3A_51 = tpu.memref_squeeze %dma_start3A_50 : memref<1x72x32xi32, #tpu.memory_space<vmem>> -> memref<72x32xi32, #tpu.memory_space<vmem>>
    %dma_start3A_52 = arith.constant 128 : i32
    %dma_start3A_53 = tpu.memref_slice %arg7[%dma_start3A_45, %dma_start3A_46, %dma_start3A_52] : memref<32x4x200xi32, #tpu.memory_space<vmem>> -> memref<1x1x72xi32, #tpu.memory_space<vmem>>
    %dma_start3A_54 = tpu.memref_squeeze %dma_start3A_53 : memref<1x1x72xi32, #tpu.memory_space<vmem>> -> memref<72xi32, #tpu.memory_space<vmem>>
    %dma_start3A_55 = arith.constant 0 : i32
    %dma_start3A_56 = arith.constant 0 : i32
    %dma_start3A_57 = tpu.memref_slice %arg2[%dma_start3A_55, %dma_start3A_56] : memref<400000x32xi32, #tpu.memory_space<hbm>> -> memref<400000x32xi32, #tpu.memory_space<hbm>>
    tpu.enqueue_indirect_dma source(%dma_start3A_57 : memref<400000x32xi32, #tpu.memory_space<hbm>>) target(%dma_start3A_51 : memref<72x32xi32, #tpu.memory_space<vmem>>) offsets(%dma_start3A_54 : memref<72xi32, #tpu.memory_space<vmem>>) semaphore(%arg11 : memref<!tpu.dma_semaphore, #tpu.memory_space<semaphore_mem>>)
    %scan3A = arith.constant 0 : i32
    %scan3A_58 = arith.constant 0 : i32
    %scan3A_59 = arith.constant 64 : i32
    %scan3A_60 = arith.addi %scan3A_58, %scan3A_59 : i32
    %scan3A_61 = arith.constant 1 : i32
    scf.for %scan3A_63 = %scan3A_58 to %scan3A_60 step %scan3A_61  : i32 {
      %mul3A_64 = arith.constant 2 : i32
      %mul3A_65 = arith.muli %mul3A_64, %scan3A_63 : i32
      %jit3A = arith.constant 4 : i32
      %div3A = arith.divsi %mul3A_65, %jit3A : i32
      %sign3A = arith.constant 0 : i32
      %sign3A_66 = arith.cmpi sgt, %mul3A_65, %sign3A : i32
      %sign3A_67 = arith.extui %sign3A_66 : i1 to i32
      %sign3A_68 = arith.constant 0 : i32
      %sign3A_69 = arith.cmpi slt, %mul3A_65, %sign3A_68 : i32
      %sign3A_70 = arith.extui %sign3A_69 : i1 to i32
      %sign3A_71 = arith.subi %sign3A_67, %sign3A_70 : i32
      %sign3A_72 = arith.constant 0 : i32
      %sign3A_73 = arith.cmpi sgt, %jit3A, %sign3A_72 : i32
      %sign3A_74 = arith.extui %sign3A_73 : i1 to i32
      %sign3A_75 = arith.constant 0 : i32
      %sign3A_76 = arith.cmpi slt, %jit3A, %sign3A_75 : i32
      %sign3A_77 = arith.extui %sign3A_76 : i1 to i32
      %sign3A_78 = arith.subi %sign3A_74, %sign3A_77 : i32
      %ne3A = arith.cmpi ne, %sign3A_71, %sign3A_78 : i32
      %rem3A = arith.remsi %mul3A_65, %jit3A : i32
      %ne3A_79 = arith.constant 0 : i32
      %ne3A_80 = arith.cmpi ne, %rem3A, %ne3A_79 : i32
      %and3A = arith.andi %ne3A, %ne3A_80 : i1
      %sub3A = arith.constant 1 : i32
      %sub3A_81 = arith.subi %div3A, %sub3A : i32
      %select_n3A = arith.select %and3A, %sub3A_81, %div3A : i32
      %jit3A_82 = arith.constant 4 : i32
      %eq3A = arith.constant 0 : i32
      %eq3A_83 = arith.cmpi eq, %jit3A_82, %eq3A : i32
      %jit3A_84 = arith.constant 1 : i32
      %select_n3A_85 = arith.select %eq3A_83, %jit3A_84, %jit3A_82 : i32
      %rem3A_86 = arith.remsi %mul3A_65, %select_n3A_85 : i32
      %ne3A_87 = arith.constant 0 : i32
      %ne3A_88 = arith.cmpi ne, %rem3A_86, %ne3A_87 : i32
      %lt3A = arith.constant 0 : i32
      %lt3A_89 = arith.cmpi slt, %rem3A_86, %lt3A : i32
      %lt3A_90 = arith.constant 0 : i32
      %lt3A_91 = arith.cmpi slt, %select_n3A_85, %lt3A_90 : i32
      %ne3A_92 = arith.xori %lt3A_89, %lt3A_91 : i1
      %and3A_93 = arith.andi %ne3A_92, %ne3A_88 : i1
      %add3A_94 = arith.addi %rem3A_86, %select_n3A_85 : i32
      %select_n3A_95 = arith.select %and3A_93, %add3A_94, %rem3A_86 : i32
      %dma_wait3A = arith.constant 0 : i32
      %dma_wait3A_96 = arith.constant 0 : i32
      %dma_wait3A_97 = arith.constant 0 : i32
      %dma_wait3A_98 = tpu.memref_slice %arg8[%dma_wait3A, %dma_wait3A_96, %dma_wait3A_97] : memref<2x200x32xi32, #tpu.memory_space<vmem>> -> memref<1x128x32xi32, #tpu.memory_space<vmem>>
      %dma_wait3A_99 = tpu.memref_squeeze %dma_wait3A_98 : memref<1x128x32xi32, #tpu.memory_space<vmem>> -> memref<128x32xi32, #tpu.memory_space<vmem>>
      %dma_wait3A_100 = arith.constant 0 : i32
      %dma_wait3A_101 = tpu.memref_slice %arg6[%select_n3A, %select_n3A_95, %dma_wait3A_100] : memref<32x4x200xi32, #tpu.memory_space<vmem>> -> memref<1x1x128xi32, #tpu.memory_space<vmem>>
      %dma_wait3A_102 = tpu.memref_squeeze %dma_wait3A_101 : memref<1x1x128xi32, #tpu.memory_space<vmem>> -> memref<128xi32, #tpu.memory_space<vmem>>
      %dma_wait3A_103 = arith.constant 0 : i32
      %dma_wait3A_104 = arith.constant 0 : i32
      %dma_wait3A_105 = tpu.memref_slice %arg2[%dma_wait3A_103, %dma_wait3A_104] : memref<400000x32xi32, #tpu.memory_space<hbm>> -> memref<400000x32xi32, #tpu.memory_space<hbm>>
      tpu.wait_indirect_dma semaphore(%arg11 : memref<!tpu.dma_semaphore, #tpu.memory_space<semaphore_mem>>) src(%dma_wait3A_105 : memref<400000x32xi32, #tpu.memory_space<hbm>>) dst(%dma_wait3A_99 : memref<128x32xi32, #tpu.memory_space<vmem>>)
      %dma_wait3A_106 = arith.constant 0 : i32
      %dma_wait3A_107 = arith.constant 0 : i32
      %dma_wait3A_108 = arith.constant 0 : i32
      %dma_wait3A_109 = tpu.memref_slice %arg9[%dma_wait3A_106, %dma_wait3A_107, %dma_wait3A_108] : memref<2x200x32xi32, #tpu.memory_space<vmem>> -> memref<1x128x32xi32, #tpu.memory_space<vmem>>
      %dma_wait3A_110 = tpu.memref_squeeze %dma_wait3A_109 : memref<1x128x32xi32, #tpu.memory_space<vmem>> -> memref<128x32xi32, #tpu.memory_space<vmem>>
      %dma_wait3A_111 = arith.constant 0 : i32
      %dma_wait3A_112 = tpu.memref_slice %arg7[%select_n3A, %select_n3A_95, %dma_wait3A_111] : memref<32x4x200xi32, #tpu.memory_space<vmem>> -> memref<1x1x128xi32, #tpu.memory_space<vmem>>
      %dma_wait3A_113 = tpu.memref_squeeze %dma_wait3A_112 : memref<1x1x128xi32, #tpu.memory_space<vmem>> -> memref<128xi32, #tpu.memory_space<vmem>>
      %dma_wait3A_114 = arith.constant 0 : i32
      %dma_wait3A_115 = arith.constant 0 : i32
      %dma_wait3A_116 = tpu.memref_slice %arg2[%dma_wait3A_114, %dma_wait3A_115] : memref<400000x32xi32, #tpu.memory_space<hbm>> -> memref<400000x32xi32, #tpu.memory_space<hbm>>
      tpu.wait_indirect_dma semaphore(%arg11 : memref<!tpu.dma_semaphore, #tpu.memory_space<semaphore_mem>>) src(%dma_wait3A_116 : memref<400000x32xi32, #tpu.memory_space<hbm>>) dst(%dma_wait3A_110 : memref<128x32xi32, #tpu.memory_space<vmem>>)
      %dma_wait3A_117 = arith.constant 0 : i32
      %dma_wait3A_118 = arith.constant 128 : i32
      %dma_wait3A_119 = arith.constant 0 : i32
      %dma_wait3A_120 = tpu.memref_slice %arg8[%dma_wait3A_117, %dma_wait3A_118, %dma_wait3A_119] : memref<2x200x32xi32, #tpu.memory_space<vmem>> -> memref<1x72x32xi32, #tpu.memory_space<vmem>>
      %dma_wait3A_121 = tpu.memref_squeeze %dma_wait3A_120 : memref<1x72x32xi32, #tpu.memory_space<vmem>> -> memref<72x32xi32, #tpu.memory_space<vmem>>
      %dma_wait3A_122 = arith.constant 128 : i32
      %dma_wait3A_123 = tpu.memref_slice %arg6[%select_n3A, %select_n3A_95, %dma_wait3A_122] : memref<32x4x200xi32, #tpu.memory_space<vmem>> -> memref<1x1x72xi32, #tpu.memory_space<vmem>>
      %dma_wait3A_124 = tpu.memref_squeeze %dma_wait3A_123 : memref<1x1x72xi32, #tpu.memory_space<vmem>> -> memref<72xi32, #tpu.memory_space<vmem>>
      %dma_wait3A_125 = arith.constant 0 : i32
      %dma_wait3A_126 = arith.constant 0 : i32
      %dma_wait3A_127 = tpu.memref_slice %arg2[%dma_wait3A_125, %dma_wait3A_126] : memref<400000x32xi32, #tpu.memory_space<hbm>> -> memref<400000x32xi32, #tpu.memory_space<hbm>>
      tpu.wait_indirect_dma semaphore(%arg11 : memref<!tpu.dma_semaphore, #tpu.memory_space<semaphore_mem>>) src(%dma_wait3A_127 : memref<400000x32xi32, #tpu.memory_space<hbm>>) dst(%dma_wait3A_121 : memref<72x32xi32, #tpu.memory_space<vmem>>)
      %dma_wait3A_128 = arith.constant 0 : i32
      %dma_wait3A_129 = arith.constant 128 : i32
      %dma_wait3A_130 = arith.constant 0 : i32
      %dma_wait3A_131 = tpu.memref_slice %arg9[%dma_wait3A_128, %dma_wait3A_129, %dma_wait3A_130] : memref<2x200x32xi32, #tpu.memory_space<vmem>> -> memref<1x72x32xi32, #tpu.memory_space<vmem>>
      %dma_wait3A_132 = tpu.memref_squeeze %dma_wait3A_131 : memref<1x72x32xi32, #tpu.memory_space<vmem>> -> memref<72x32xi32, #tpu.memory_space<vmem>>
      %dma_wait3A_133 = arith.constant 128 : i32
      %dma_wait3A_134 = tpu.memref_slice %arg7[%select_n3A, %select_n3A_95, %dma_wait3A_133] : memref<32x4x200xi32, #tpu.memory_space<vmem>> -> memref<1x1x72xi32, #tpu.memory_space<vmem>>
      %dma_wait3A_135 = tpu.memref_squeeze %dma_wait3A_134 : memref<1x1x72xi32, #tpu.memory_space<vmem>> -> memref<72xi32, #tpu.memory_space<vmem>>
      %dma_wait3A_136 = arith.constant 0 : i32
      %dma_wait3A_137 = arith.constant 0 : i32
      %dma_wait3A_138 = tpu.memref_slice %arg2[%dma_wait3A_136, %dma_wait3A_137] : memref<400000x32xi32, #tpu.memory_space<hbm>> -> memref<400000x32xi32, #tpu.memory_space<hbm>>
      tpu.wait_indirect_dma semaphore(%arg11 : memref<!tpu.dma_semaphore, #tpu.memory_space<semaphore_mem>>) src(%dma_wait3A_138 : memref<400000x32xi32, #tpu.memory_space<hbm>>) dst(%dma_wait3A_132 : memref<72x32xi32, #tpu.memory_space<vmem>>)
      %add3A_139 = arith.constant 1 : i32
      %add3A_140 = arith.addi %mul3A_65, %add3A_139 : i32
      %jit3A_141 = arith.constant 4 : i32
      %div3A_142 = arith.divsi %add3A_140, %jit3A_141 : i32
      %sign3A_143 = arith.constant 0 : i32
      %sign3A_144 = arith.cmpi sgt, %add3A_140, %sign3A_143 : i32
      %sign3A_145 = arith.extui %sign3A_144 : i1 to i32
      %sign3A_146 = arith.constant 0 : i32
      %sign3A_147 = arith.cmpi slt, %add3A_140, %sign3A_146 : i32
      %sign3A_148 = arith.extui %sign3A_147 : i1 to i32
      %sign3A_149 = arith.subi %sign3A_145, %sign3A_148 : i32
      %sign3A_150 = arith.constant 0 : i32
      %sign3A_151 = arith.cmpi sgt, %jit3A_141, %sign3A_150 : i32
      %sign3A_152 = arith.extui %sign3A_151 : i1 to i32
      %sign3A_153 = arith.constant 0 : i32
      %sign3A_154 = arith.cmpi slt, %jit3A_141, %sign3A_153 : i32
      %sign3A_155 = arith.extui %sign3A_154 : i1 to i32
      %sign3A_156 = arith.subi %sign3A_152, %sign3A_155 : i32
      %ne3A_157 = arith.cmpi ne, %sign3A_149, %sign3A_156 : i32
      %rem3A_158 = arith.remsi %add3A_140, %jit3A_141 : i32
      %ne3A_159 = arith.constant 0 : i32
      %ne3A_160 = arith.cmpi ne, %rem3A_158, %ne3A_159 : i32
      %and3A_161 = arith.andi %ne3A_157, %ne3A_160 : i1
      %sub3A_162 = arith.constant 1 : i32
      %sub3A_163 = arith.subi %div3A_142, %sub3A_162 : i32
      %select_n3A_164 = arith.select %and3A_161, %sub3A_163, %div3A_142 : i32
      %jit3A_165 = arith.constant 4 : i32
      %eq3A_166 = arith.constant 0 : i32
      %eq3A_167 = arith.cmpi eq, %jit3A_165, %eq3A_166 : i32
      %jit3A_168 = arith.constant 1 : i32
      %select_n3A_169 = arith.select %eq3A_167, %jit3A_168, %jit3A_165 : i32
      %rem3A_170 = arith.remsi %add3A_140, %select_n3A_169 : i32
      %ne3A_171 = arith.constant 0 : i32
      %ne3A_172 = arith.cmpi ne, %rem3A_170, %ne3A_171 : i32
      %lt3A_173 = arith.constant 0 : i32
      %lt3A_174 = arith.cmpi slt, %rem3A_170, %lt3A_173 : i32
      %lt3A_175 = arith.constant 0 : i32
      %lt3A_176 = arith.cmpi slt, %select_n3A_169, %lt3A_175 : i32
      %ne3A_177 = arith.xori %lt3A_174, %lt3A_176 : i1
      %and3A_178 = arith.andi %ne3A_177, %ne3A_172 : i1
      %add3A_179 = arith.addi %rem3A_170, %select_n3A_169 : i32
      %select_n3A_180 = arith.select %and3A_178, %add3A_179, %rem3A_170 : i32
      %dma_start3A_181 = arith.constant 1 : i32
      %dma_start3A_182 = arith.constant 0 : i32
      %dma_start3A_183 = arith.constant 0 : i32
      %dma_start3A_184 = tpu.memref_slice %arg8[%dma_start3A_181, %dma_start3A_182, %dma_start3A_183] : memref<2x200x32xi32, #tpu.memory_space<vmem>> -> memref<1x128x32xi32, #tpu.memory_space<vmem>>
      %dma_start3A_185 = tpu.memref_squeeze %dma_start3A_184 : memref<1x128x32xi32, #tpu.memory_space<vmem>> -> memref<128x32xi32, #tpu.memory_space<vmem>>
      %dma_start3A_186 = arith.constant 0 : i32
      %dma_start3A_187 = tpu.memref_slice %arg6[%select_n3A_164, %select_n3A_180, %dma_start3A_186] : memref<32x4x200xi32, #tpu.memory_space<vmem>> -> memref<1x1x128xi32, #tpu.memory_space<vmem>>
      %dma_start3A_188 = tpu.memref_squeeze %dma_start3A_187 : memref<1x1x128xi32, #tpu.memory_space<vmem>> -> memref<128xi32, #tpu.memory_space<vmem>>
      %dma_start3A_189 = arith.constant 0 : i32
      %dma_start3A_190 = arith.constant 0 : i32
      %dma_start3A_191 = tpu.memref_slice %arg2[%dma_start3A_189, %dma_start3A_190] : memref<400000x32xi32, #tpu.memory_space<hbm>> -> memref<400000x32xi32, #tpu.memory_space<hbm>>
      tpu.enqueue_indirect_dma source(%dma_start3A_191 : memref<400000x32xi32, #tpu.memory_space<hbm>>) target(%dma_start3A_185 : memref<128x32xi32, #tpu.memory_space<vmem>>) offsets(%dma_start3A_188 : memref<128xi32, #tpu.memory_space<vmem>>) semaphore(%arg12 : memref<!tpu.dma_semaphore, #tpu.memory_space<semaphore_mem>>)
      %dma_start3A_192 = arith.constant 1 : i32
      %dma_start3A_193 = arith.constant 0 : i32
      %dma_start3A_194 = arith.constant 0 : i32
      %dma_start3A_195 = tpu.memref_slice %arg9[%dma_start3A_192, %dma_start3A_193, %dma_start3A_194] : memref<2x200x32xi32, #tpu.memory_space<vmem>> -> memref<1x128x32xi32, #tpu.memory_space<vmem>>
      %dma_start3A_196 = tpu.memref_squeeze %dma_start3A_195 : memref<1x128x32xi32, #tpu.memory_space<vmem>> -> memref<128x32xi32, #tpu.memory_space<vmem>>
      %dma_start3A_197 = arith.constant 0 : i32
      %dma_start3A_198 = tpu.memref_slice %arg7[%select_n3A_164, %select_n3A_180, %dma_start3A_197] : memref<32x4x200xi32, #tpu.memory_space<vmem>> -> memref<1x1x128xi32, #tpu.memory_space<vmem>>
      %dma_start3A_199 = tpu.memref_squeeze %dma_start3A_198 : memref<1x1x128xi32, #tpu.memory_space<vmem>> -> memref<128xi32, #tpu.memory_space<vmem>>
      %dma_start3A_200 = arith.constant 0 : i32
      %dma_start3A_201 = arith.constant 0 : i32
      %dma_start3A_202 = tpu.memref_slice %arg2[%dma_start3A_200, %dma_start3A_201] : memref<400000x32xi32, #tpu.memory_space<hbm>> -> memref<400000x32xi32, #tpu.memory_space<hbm>>
      tpu.enqueue_indirect_dma source(%dma_start3A_202 : memref<400000x32xi32, #tpu.memory_space<hbm>>) target(%dma_start3A_196 : memref<128x32xi32, #tpu.memory_space<vmem>>) offsets(%dma_start3A_199 : memref<128xi32, #tpu.memory_space<vmem>>) semaphore(%arg12 : memref<!tpu.dma_semaphore, #tpu.memory_space<semaphore_mem>>)
      %dma_start3A_203 = arith.constant 1 : i32
      %dma_start3A_204 = arith.constant 128 : i32
      %dma_start3A_205 = arith.constant 0 : i32
      %dma_start3A_206 = tpu.memref_slice %arg8[%dma_start3A_203, %dma_start3A_204, %dma_start3A_205] : memref<2x200x32xi32, #tpu.memory_space<vmem>> -> memref<1x72x32xi32, #tpu.memory_space<vmem>>
      %dma_start3A_207 = tpu.memref_squeeze %dma_start3A_206 : memref<1x72x32xi32, #tpu.memory_space<vmem>> -> memref<72x32xi32, #tpu.memory_space<vmem>>
      %dma_start3A_208 = arith.constant 128 : i32
      %dma_start3A_209 = tpu.memref_slice %arg6[%select_n3A_164, %select_n3A_180, %dma_start3A_208] : memref<32x4x200xi32, #tpu.memory_space<vmem>> -> memref<1x1x72xi32, #tpu.memory_space<vmem>>
      %dma_start3A_210 = tpu.memref_squeeze %dma_start3A_209 : memref<1x1x72xi32, #tpu.memory_space<vmem>> -> memref<72xi32, #tpu.memory_space<vmem>>
      %dma_start3A_211 = arith.constant 0 : i32
      %dma_start3A_212 = arith.constant 0 : i32
      %dma_start3A_213 = tpu.memref_slice %arg2[%dma_start3A_211, %dma_start3A_212] : memref<400000x32xi32, #tpu.memory_space<hbm>> -> memref<400000x32xi32, #tpu.memory_space<hbm>>
      tpu.enqueue_indirect_dma source(%dma_start3A_213 : memref<400000x32xi32, #tpu.memory_space<hbm>>) target(%dma_start3A_207 : memref<72x32xi32, #tpu.memory_space<vmem>>) offsets(%dma_start3A_210 : memref<72xi32, #tpu.memory_space<vmem>>) semaphore(%arg12 : memref<!tpu.dma_semaphore, #tpu.memory_space<semaphore_mem>>)
      %dma_start3A_214 = arith.constant 1 : i32
      %dma_start3A_215 = arith.constant 128 : i32
      %dma_start3A_216 = arith.constant 0 : i32
      %dma_start3A_217 = tpu.memref_slice %arg9[%dma_start3A_214, %dma_start3A_215, %dma_start3A_216] : memref<2x200x32xi32, #tpu.memory_space<vmem>> -> memref<1x72x32xi32, #tpu.memory_space<vmem>>
      %dma_start3A_218 = tpu.memref_squeeze %dma_start3A_217 : memref<1x72x32xi32, #tpu.memory_space<vmem>> -> memref<72x32xi32, #tpu.memory_space<vmem>>
      %dma_start3A_219 = arith.constant 128 : i32
      %dma_start3A_220 = tpu.memref_slice %arg7[%select_n3A_164, %select_n3A_180, %dma_start3A_219] : memref<32x4x200xi32, #tpu.memory_space<vmem>> -> memref<1x1x72xi32, #tpu.memory_space<vmem>>
      %dma_start3A_221 = tpu.memref_squeeze %dma_start3A_220 : memref<1x1x72xi32, #tpu.memory_space<vmem>> -> memref<72xi32, #tpu.memory_space<vmem>>
      %dma_start3A_222 = arith.constant 0 : i32
      %dma_start3A_223 = arith.constant 0 : i32
      %dma_start3A_224 = tpu.memref_slice %arg2[%dma_start3A_222, %dma_start3A_223] : memref<400000x32xi32, #tpu.memory_space<hbm>> -> memref<400000x32xi32, #tpu.memory_space<hbm>>
      tpu.enqueue_indirect_dma source(%dma_start3A_224 : memref<400000x32xi32, #tpu.memory_space<hbm>>) target(%dma_start3A_218 : memref<72x32xi32, #tpu.memory_space<vmem>>) offsets(%dma_start3A_221 : memref<72xi32, #tpu.memory_space<vmem>>) semaphore(%arg12 : memref<!tpu.dma_semaphore, #tpu.memory_space<semaphore_mem>>)
      %broadcast_in_dim3A = arith.constant 0.000000e+00 : f32
      %broadcast_in_dim3A_225 = vector.broadcast %broadcast_in_dim3A : f32 to vector<16xf32>
      %scan3A_226 = arith.constant 0 : i32
      %scan3A_227 = arith.constant 100 : i32
      %scan3A_228 = arith.addi %scan3A_226, %scan3A_227 : i32
      %scan3A_229 = arith.constant 1 : i32
      %scan3A_230:4 = scf.for %scan3A_368 = %scan3A_226 to %scan3A_228 step %scan3A_229 iter_args(%scan3A_369 = %broadcast_in_dim3A_225, %scan3A_370 = %broadcast_in_dim3A_225, %scan3A_371 = %broadcast_in_dim3A_225, %scan3A_372 = %broadcast_in_dim3A_225) -> (vector<16xf32>, vector<16xf32>, vector<16xf32>, vector<16xf32>)  : i32 {
        %mul3A_373 = arith.constant 2 : i32
        %mul3A_374 = arith.muli %mul3A_373, %scan3A_368 : i32
        %add3A_375 = arith.constant 1 : i32
        %add3A_376 = arith.addi %mul3A_374, %add3A_375 : i32
        %mul3A_377 = arith.constant 2 : i32
        %mul3A_378 = arith.muli %mul3A_377, %scan3A_368 : i32
        %get3A = arith.constant 0 : i32
        %get3A_379 = arith.index_cast %get3A : i32 to index
        %get3A_380 = arith.index_cast %mul3A_378 : i32 to index
        %get3A_381 = arith.constant 0 : index
        %get3A_382 = tpu.vector_load %arg8[%get3A_379, %get3A_380, %get3A_381] {strides = array<i32>} : memref<2x200x32xi32, #tpu.memory_space<vmem>>, vector<1x1x16xi32>,
        %get3A_383 = vector.shape_cast %get3A_382 : vector<1x1x16xi32> to vector<16xi32>
        %shift_left3A = arith.constant 16 : i32
        %shift_left3A_384 = vector.broadcast %shift_left3A : i32 to vector<16xi32>
        %shift_left3A_385 = arith.shli %get3A_383, %shift_left3A_384 : vector<16xi32>
        %bitcast_convert_type3A = tpu.bitcast %shift_left3A_385 : vector<16xi32> -> vector<16xf32>
        %bitcast_convert_type3A_386 = tpu.bitcast %get3A_383 : vector<16xi32> -> vector<16xf32>
        %get3A_387 = arith.constant 0 : i32
        %get3A_388 = arith.index_cast %get3A_387 : i32 to index
        %get3A_389 = arith.index_cast %mul3A_378 : i32 to index
        %get3A_390 = arith.constant 0 : index
        %get3A_391 = tpu.vector_load %arg9[%get3A_388, %get3A_389, %get3A_390] {strides = array<i32>} : memref<2x200x32xi32, #tpu.memory_space<vmem>>, vector<1x1x16xi32>,
        %get3A_392 = vector.shape_cast %get3A_391 : vector<1x1x16xi32> to vector<16xi32>
        %shift_left3A_393 = arith.constant 16 : i32
        %shift_left3A_394 = vector.broadcast %shift_left3A_393 : i32 to vector<16xi32>
        %shift_left3A_395 = arith.shli %get3A_392, %shift_left3A_394 : vector<16xi32>
        %bitcast_convert_type3A_396 = tpu.bitcast %shift_left3A_395 : vector<16xi32> -> vector<16xf32>
        %bitcast_convert_type3A_397 = tpu.bitcast %get3A_392 : vector<16xi32> -> vector<16xf32>
        %add3A_398 = arith.addf %bitcast_convert_type3A, %bitcast_convert_type3A_396 : vector<16xf32>
        %max3A = arith.constant 0.000000e+00 : f32
        %max3A_399 = vector.broadcast %max3A : f32 to vector<16xf32>
        %max3A_400 = arith.maximumf %add3A_398, %max3A_399 : vector<16xf32>
        %add3A_401 = arith.addf %scan3A_369, %max3A_400 : vector<16xf32>
        %add3A_402 = arith.addf %bitcast_convert_type3A_386, %bitcast_convert_type3A_397 : vector<16xf32>
        %max3A_403 = arith.constant 0.000000e+00 : f32
        %max3A_404 = vector.broadcast %max3A_403 : f32 to vector<16xf32>
        %max3A_405 = arith.maximumf %add3A_402, %max3A_404 : vector<16xf32>
        %add3A_406 = arith.addf %scan3A_370, %max3A_405 : vector<16xf32>
        %get3A_407 = arith.constant 0 : i32
        %get3A_408 = arith.index_cast %get3A_407 : i32 to index
        %get3A_409 = arith.index_cast %mul3A_378 : i32 to index
        %get3A_410 = arith.constant 16 : index
        %get3A_411 = tpu.vector_load %arg8[%get3A_408, %get3A_409, %get3A_410] {strides = array<i32>} : memref<2x200x32xi32, #tpu.memory_space<vmem>>, vector<1x1x16xi32>,
        %get3A_412 = vector.shape_cast %get3A_411 : vector<1x1x16xi32> to vector<16xi32>
        %shift_left3A_413 = arith.constant 16 : i32
        %shift_left3A_414 = vector.broadcast %shift_left3A_413 : i32 to vector<16xi32>
        %shift_left3A_415 = arith.shli %get3A_412, %shift_left3A_414 : vector<16xi32>
        %bitcast_convert_type3A_416 = tpu.bitcast %shift_left3A_415 : vector<16xi32> -> vector<16xf32>
        %bitcast_convert_type3A_417 = tpu.bitcast %get3A_412 : vector<16xi32> -> vector<16xf32>
        %get3A_418 = arith.constant 0 : i32
        %get3A_419 = arith.index_cast %get3A_418 : i32 to index
        %get3A_420 = arith.index_cast %mul3A_378 : i32 to index
        %get3A_421 = arith.constant 16 : index
        %get3A_422 = tpu.vector_load %arg9[%get3A_419, %get3A_420, %get3A_421] {strides = array<i32>} : memref<2x200x32xi32, #tpu.memory_space<vmem>>, vector<1x1x16xi32>,
        %get3A_423 = vector.shape_cast %get3A_422 : vector<1x1x16xi32> to vector<16xi32>
        %shift_left3A_424 = arith.constant 16 : i32
        %shift_left3A_425 = vector.broadcast %shift_left3A_424 : i32 to vector<16xi32>
        %shift_left3A_426 = arith.shli %get3A_423, %shift_left3A_425 : vector<16xi32>
        %bitcast_convert_type3A_427 = tpu.bitcast %shift_left3A_426 : vector<16xi32> -> vector<16xf32>
        %bitcast_convert_type3A_428 = tpu.bitcast %get3A_423 : vector<16xi32> -> vector<16xf32>
        %add3A_429 = arith.addf %bitcast_convert_type3A_416, %bitcast_convert_type3A_427 : vector<16xf32>
        %max3A_430 = arith.constant 0.000000e+00 : f32
        %max3A_431 = vector.broadcast %max3A_430 : f32 to vector<16xf32>
        %max3A_432 = arith.maximumf %add3A_429, %max3A_431 : vector<16xf32>
        %add3A_433 = arith.addf %scan3A_371, %max3A_432 : vector<16xf32>
        %add3A_434 = arith.addf %bitcast_convert_type3A_417, %bitcast_convert_type3A_428 : vector<16xf32>
        %max3A_435 = arith.constant 0.000000e+00 : f32
        %max3A_436 = vector.broadcast %max3A_435 : f32 to vector<16xf32>
        %max3A_437 = arith.maximumf %add3A_434, %max3A_436 : vector<16xf32>
        %add3A_438 = arith.addf %scan3A_372, %max3A_437 : vector<16xf32>
        %get3A_439 = arith.constant 0 : i32
        %get3A_440 = arith.index_cast %get3A_439 : i32 to index
        %get3A_441 = arith.index_cast %add3A_376 : i32 to index
        %get3A_442 = arith.constant 0 : index
        %get3A_443 = tpu.vector_load %arg8[%get3A_440, %get3A_441, %get3A_442] {strides = array<i32>} : memref<2x200x32xi32, #tpu.memory_space<vmem>>, vector<1x1x16xi32>,
        %get3A_444 = vector.shape_cast %get3A_443 : vector<1x1x16xi32> to vector<16xi32>
        %shift_left3A_445 = arith.constant 16 : i32
        %shift_left3A_446 = vector.broadcast %shift_left3A_445 : i32 to vector<16xi32>
        %shift_left3A_447 = arith.shli %get3A_444, %shift_left3A_446 : vector<16xi32>
        %bitcast_convert_type3A_448 = tpu.bitcast %shift_left3A_447 : vector<16xi32> -> vector<16xf32>
        %bitcast_convert_type3A_449 = tpu.bitcast %get3A_444 : vector<16xi32> -> vector<16xf32>
        %get3A_450 = arith.constant 0 : i32
        %get3A_451 = arith.index_cast %get3A_450 : i32 to index
        %get3A_452 = arith.index_cast %add3A_376 : i32 to index
        %get3A_453 = arith.constant 0 : index
        %get3A_454 = tpu.vector_load %arg9[%get3A_451, %get3A_452, %get3A_453] {strides = array<i32>} : memref<2x200x32xi32, #tpu.memory_space<vmem>>, vector<1x1x16xi32>,
        %get3A_455 = vector.shape_cast %get3A_454 : vector<1x1x16xi32> to vector<16xi32>
        %shift_left3A_456 = arith.constant 16 : i32
        %shift_left3A_457 = vector.broadcast %shift_left3A_456 : i32 to vector<16xi32>
        %shift_left3A_458 = arith.shli %get3A_455, %shift_left3A_457 : vector<16xi32>
        %bitcast_convert_type3A_459 = tpu.bitcast %shift_left3A_458 : vector<16xi32> -> vector<16xf32>
        %bitcast_convert_type3A_460 = tpu.bitcast %get3A_455 : vector<16xi32> -> vector<16xf32>
        %add3A_461 = arith.addf %bitcast_convert_type3A_448, %bitcast_convert_type3A_459 : vector<16xf32>
        %max3A_462 = arith.constant 0.000000e+00 : f32
        %max3A_463 = vector.broadcast %max3A_462 : f32 to vector<16xf32>
        %max3A_464 = arith.maximumf %add3A_461, %max3A_463 : vector<16xf32>
        %add3A_465 = arith.addf %add3A_401, %max3A_464 : vector<16xf32>
        %add3A_466 = arith.addf %bitcast_convert_type3A_449, %bitcast_convert_type3A_460 : vector<16xf32>
        %max3A_467 = arith.constant 0.000000e+00 : f32
        %max3A_468 = vector.broadcast %max3A_467 : f32 to vector<16xf32>
        %max3A_469 = arith.maximumf %add3A_466, %max3A_468 : vector<16xf32>
        %add3A_470 = arith.addf %add3A_406, %max3A_469 : vector<16xf32>
        %get3A_471 = arith.constant 0 : i32
        %get3A_472 = arith.index_cast %get3A_471 : i32 to index
        %get3A_473 = arith.index_cast %add3A_376 : i32 to index
        %get3A_474 = arith.constant 16 : index
        %get3A_475 = tpu.vector_load %arg8[%get3A_472, %get3A_473, %get3A_474] {strides = array<i32>} : memref<2x200x32xi32, #tpu.memory_space<vmem>>, vector<1x1x16xi32>,
        %get3A_476 = vector.shape_cast %get3A_475 : vector<1x1x16xi32> to vector<16xi32>
        %shift_left3A_477 = arith.constant 16 : i32
        %shift_left3A_478 = vector.broadcast %shift_left3A_477 : i32 to vector<16xi32>
        %shift_left3A_479 = arith.shli %get3A_476, %shift_left3A_478 : vector<16xi32>
        %bitcast_convert_type3A_480 = tpu.bitcast %shift_left3A_479 : vector<16xi32> -> vector<16xf32>
        %bitcast_convert_type3A_481 = tpu.bitcast %get3A_476 : vector<16xi32> -> vector<16xf32>
        %get3A_482 = arith.constant 0 : i32
        %get3A_483 = arith.index_cast %get3A_482 : i32 to index
        %get3A_484 = arith.index_cast %add3A_376 : i32 to index
        %get3A_485 = arith.constant 16 : index
        %get3A_486 = tpu.vector_load %arg9[%get3A_483, %get3A_484, %get3A_485] {strides = array<i32>} : memref<2x200x32xi32, #tpu.memory_space<vmem>>, vector<1x1x16xi32>,
        %get3A_487 = vector.shape_cast %get3A_486 : vector<1x1x16xi32> to vector<16xi32>
        %shift_left3A_488 = arith.constant 16 : i32
        %shift_left3A_489 = vector.broadcast %shift_left3A_488 : i32 to vector<16xi32>
        %shift_left3A_490 = arith.shli %get3A_487, %shift_left3A_489 : vector<16xi32>
        %bitcast_convert_type3A_491 = tpu.bitcast %shift_left3A_490 : vector<16xi32> -> vector<16xf32>
        %bitcast_convert_type3A_492 = tpu.bitcast %get3A_487 : vector<16xi32> -> vector<16xf32>
        %add3A_493 = arith.addf %bitcast_convert_type3A_480, %bitcast_convert_type3A_491 : vector<16xf32>
        %max3A_494 = arith.constant 0.000000e+00 : f32
        %max3A_495 = vector.broadcast %max3A_494 : f32 to vector<16xf32>
        %max3A_496 = arith.maximumf %add3A_493, %max3A_495 : vector<16xf32>
        %add3A_497 = arith.addf %add3A_433, %max3A_496 : vector<16xf32>
        %add3A_498 = arith.addf %bitcast_convert_type3A_481, %bitcast_convert_type3A_492 : vector<16xf32>
        %max3A_499 = arith.constant 0.000000e+00 : f32
        %max3A_500 = vector.broadcast %max3A_499 : f32 to vector<16xf32>
        %max3A_501 = arith.maximumf %add3A_498, %max3A_500 : vector<16xf32>
        %add3A_502 = arith.addf %add3A_438, %max3A_501 : vector<16xf32>
        scf.yield %add3A_465, %add3A_470, %add3A_497, %add3A_502 : vector<16xf32>, vector<16xf32>, vector<16xf32>, vector<16xf32>
      }
      %scan3A_231 = arith.constant 100 : i32
      %swap3A = arith.index_cast %mul3A_65 : i32 to index
      %swap3A_232 = arith.constant 0 : index
      %swap3A_233 = tpu.vector_load %arg10[%swap3A, %swap3A_232] {strides = array<i32>} : memref<128x64xf32, #tpu.memory_space<vmem>>, vector<1x16xf32>,
      %swap3A_234 = vector.shape_cast %swap3A_233 : vector<1x16xf32> to vector<16xf32>
      %swap3A_235 = vector.shape_cast %scan3A_230#0 : vector<16xf32> to vector<1x16xf32>
      tpu.vector_store %arg10[%swap3A, %swap3A_232], %swap3A_235 {strides = array<i32>} : memref<128x64xf32, #tpu.memory_space<vmem>>, vector<1x16xf32>,
      %swap3A_236 = arith.index_cast %mul3A_65 : i32 to index
      %swap3A_237 = arith.constant 16 : index
      %swap3A_238 = tpu.vector_load %arg10[%swap3A_236, %swap3A_237] {strides = array<i32>} : memref<128x64xf32, #tpu.memory_space<vmem>>, vector<1x16xf32>,
      %swap3A_239 = vector.shape_cast %swap3A_238 : vector<1x16xf32> to vector<16xf32>
      %swap3A_240 = vector.shape_cast %scan3A_230#2 : vector<16xf32> to vector<1x16xf32>
      tpu.vector_store %arg10[%swap3A_236, %swap3A_237], %swap3A_240 {strides = array<i32>} : memref<128x64xf32, #tpu.memory_space<vmem>>, vector<1x16xf32>,
      %swap3A_241 = arith.index_cast %mul3A_65 : i32 to index
      %swap3A_242 = arith.constant 32 : index
      %swap3A_243 = tpu.vector_load %arg10[%swap3A_241, %swap3A_242] {strides = array<i32>} : memref<128x64xf32, #tpu.memory_space<vmem>>, vector<1x16xf32>,
      %swap3A_244 = vector.shape_cast %swap3A_243 : vector<1x16xf32> to vector<16xf32>
      %swap3A_245 = vector.shape_cast %scan3A_230#1 : vector<16xf32> to vector<1x16xf32>
      tpu.vector_store %arg10[%swap3A_241, %swap3A_242], %swap3A_245 {strides = array<i32>} : memref<128x64xf32, #tpu.memory_space<vmem>>, vector<1x16xf32>,
      %swap3A_246 = arith.index_cast %mul3A_65 : i32 to index
      %swap3A_247 = arith.constant 48 : index
      %swap3A_248 = tpu.vector_load %arg10[%swap3A_246, %swap3A_247] {strides = array<i32>} : memref<128x64xf32, #tpu.memory_space<vmem>>, vector<1x16xf32>,
      %swap3A_249 = vector.shape_cast %swap3A_248 : vector<1x16xf32> to vector<16xf32>
      %swap3A_250 = vector.shape_cast %scan3A_230#3 : vector<16xf32> to vector<1x16xf32>
      tpu.vector_store %arg10[%swap3A_246, %swap3A_247], %swap3A_250 {strides = array<i32>} : memref<128x64xf32, #tpu.memory_space<vmem>>, vector<1x16xf32>,
      %add3A_251 = arith.constant 1 : i32
      %add3A_252 = arith.addi %mul3A_65, %add3A_251 : i32
      %jit3A_253 = arith.constant 4 : i32
      %div3A_254 = arith.divsi %add3A_252, %jit3A_253 : i32
      %sign3A_255 = arith.constant 0 : i32
      %sign3A_256 = arith.cmpi sgt, %add3A_252, %sign3A_255 : i32
      %sign3A_257 = arith.extui %sign3A_256 : i1 to i32
      %sign3A_258 = arith.constant 0 : i32
      %sign3A_259 = arith.cmpi slt, %add3A_252, %sign3A_258 : i32
      %sign3A_260 = arith.extui %sign3A_259 : i1 to i32
      %sign3A_261 = arith.subi %sign3A_257, %sign3A_260 : i32
      %sign3A_262 = arith.constant 0 : i32
      %sign3A_263 = arith.cmpi sgt, %jit3A_253, %sign3A_262 : i32
      %sign3A_264 = arith.extui %sign3A_263 : i1 to i32
      %sign3A_265 = arith.constant 0 : i32
      %sign3A_266 = arith.cmpi slt, %jit3A_253, %sign3A_265 : i32
      %sign3A_267 = arith.extui %sign3A_266 : i1 to i32
      %sign3A_268 = arith.subi %sign3A_264, %sign3A_267 : i32
      %ne3A_269 = arith.cmpi ne, %sign3A_261, %sign3A_268 : i32
      %rem3A_270 = arith.remsi %add3A_252, %jit3A_253 : i32
      %ne3A_271 = arith.constant 0 : i32
      %ne3A_272 = arith.cmpi ne, %rem3A_270, %ne3A_271 : i32
      %and3A_273 = arith.andi %ne3A_269, %ne3A_272 : i1
      %sub3A_274 = arith.constant 1 : i32
      %sub3A_275 = arith.subi %div3A_254, %sub3A_274 : i32
      %select_n3A_276 = arith.select %and3A_273, %sub3A_275, %div3A_254 : i32
      %jit3A_277 = arith.constant 4 : i32
      %eq3A_278 = arith.constant 0 : i32
      %eq3A_279 = arith.cmpi eq, %jit3A_277, %eq3A_278 : i32
      %jit3A_280 = arith.constant 1 : i32
      %select_n3A_281 = arith.select %eq3A_279, %jit3A_280, %jit3A_277 : i32
      %rem3A_282 = arith.remsi %add3A_252, %select_n3A_281 : i32
      %ne3A_283 = arith.constant 0 : i32
      %ne3A_284 = arith.cmpi ne, %rem3A_282, %ne3A_283 : i32
      %lt3A_285 = arith.constant 0 : i32
      %lt3A_286 = arith.cmpi slt, %rem3A_282, %lt3A_285 : i32
      %lt3A_287 = arith.constant 0 : i32
      %lt3A_288 = arith.cmpi slt, %select_n3A_281, %lt3A_287 : i32
      %ne3A_289 = arith.xori %lt3A_286, %lt3A_288 : i1
      %and3A_290 = arith.andi %ne3A_289, %ne3A_284 : i1
      %add3A_291 = arith.addi %rem3A_282, %select_n3A_281 : i32
      %select_n3A_292 = arith.select %and3A_290, %add3A_291, %rem3A_282 : i32
      %dma_wait3A_293 = arith.constant 1 : i32
      %dma_wait3A_294 = arith.constant 0 : i32
      %dma_wait3A_295 = arith.constant 0 : i32
      %dma_wait3A_296 = tpu.memref_slice %arg8[%dma_wait3A_293, %dma_wait3A_294, %dma_wait3A_295] : memref<2x200x32xi32, #tpu.memory_space<vmem>> -> memref<1x128x32xi32, #tpu.memory_space<vmem>>
      %dma_wait3A_297 = tpu.memref_squeeze %dma_wait3A_296 : memref<1x128x32xi32, #tpu.memory_space<vmem>> -> memref<128x32xi32, #tpu.memory_space<vmem>>
      %dma_wait3A_298 = arith.constant 0 : i32
      %dma_wait3A_299 = tpu.memref_slice %arg6[%select_n3A_276, %select_n3A_292, %dma_wait3A_298] : memref<32x4x200xi32, #tpu.memory_space<vmem>> -> memref<1x1x128xi32, #tpu.memory_space<vmem>>
      %dma_wait3A_300 = tpu.memref_squeeze %dma_wait3A_299 : memref<1x1x128xi32, #tpu.memory_space<vmem>> -> memref<128xi32, #tpu.memory_space<vmem>>
      %dma_wait3A_301 = arith.constant 0 : i32
      %dma_wait3A_302 = arith.constant 0 : i32
      %dma_wait3A_303 = tpu.memref_slice %arg2[%dma_wait3A_301, %dma_wait3A_302] : memref<400000x32xi32, #tpu.memory_space<hbm>> -> memref<400000x32xi32, #tpu.memory_space<hbm>>
      tpu.wait_indirect_dma semaphore(%arg12 : memref<!tpu.dma_semaphore, #tpu.memory_space<semaphore_mem>>) src(%dma_wait3A_303 : memref<400000x32xi32, #tpu.memory_space<hbm>>) dst(%dma_wait3A_297 : memref<128x32xi32, #tpu.memory_space<vmem>>)
      %dma_wait3A_304 = arith.constant 1 : i32
      %dma_wait3A_305 = arith.constant 0 : i32
      %dma_wait3A_306 = arith.constant 0 : i32
      %dma_wait3A_307 = tpu.memref_slice %arg9[%dma_wait3A_304, %dma_wait3A_305, %dma_wait3A_306] : memref<2x200x32xi32, #tpu.memory_space<vmem>> -> memref<1x128x32xi32, #tpu.memory_space<vmem>>
      %dma_wait3A_308 = tpu.memref_squeeze %dma_wait3A_307 : memref<1x128x32xi32, #tpu.memory_space<vmem>> -> memref<128x32xi32, #tpu.memory_space<vmem>>
      %dma_wait3A_309 = arith.constant 0 : i32
      %dma_wait3A_310 = tpu.memref_slice %arg7[%select_n3A_276, %select_n3A_292, %dma_wait3A_309] : memref<32x4x200xi32, #tpu.memory_space<vmem>> -> memref<1x1x128xi32, #tpu.memory_space<vmem>>
      %dma_wait3A_311 = tpu.memref_squeeze %dma_wait3A_310 : memref<1x1x128xi32, #tpu.memory_space<vmem>> -> memref<128xi32, #tpu.memory_space<vmem>>
      %dma_wait3A_312 = arith.constant 0 : i32
      %dma_wait3A_313 = arith.constant 0 : i32
      %dma_wait3A_314 = tpu.memref_slice %arg2[%dma_wait3A_312, %dma_wait3A_313] : memref<400000x32xi32, #tpu.memory_space<hbm>> -> memref<400000x32xi32, #tpu.memory_space<hbm>>
      tpu.wait_indirect_dma semaphore(%arg12 : memref<!tpu.dma_semaphore, #tpu.memory_space<semaphore_mem>>) src(%dma_wait3A_314 : memref<400000x32xi32, #tpu.memory_space<hbm>>) dst(%dma_wait3A_308 : memref<128x32xi32, #tpu.memory_space<vmem>>)
      %dma_wait3A_315 = arith.constant 1 : i32
      %dma_wait3A_316 = arith.constant 128 : i32
      %dma_wait3A_317 = arith.constant 0 : i32
      %dma_wait3A_318 = tpu.memref_slice %arg8[%dma_wait3A_315, %dma_wait3A_316, %dma_wait3A_317] : memref<2x200x32xi32, #tpu.memory_space<vmem>> -> memref<1x72x32xi32, #tpu.memory_space<vmem>>
      %dma_wait3A_319 = tpu.memref_squeeze %dma_wait3A_318 : memref<1x72x32xi32, #tpu.memory_space<vmem>> -> memref<72x32xi32, #tpu.memory_space<vmem>>
      %dma_wait3A_320 = arith.constant 128 : i32
      %dma_wait3A_321 = tpu.memref_slice %arg6[%select_n3A_276, %select_n3A_292, %dma_wait3A_320] : memref<32x4x200xi32, #tpu.memory_space<vmem>> -> memref<1x1x72xi32, #tpu.memory_space<vmem>>
      %dma_wait3A_322 = tpu.memref_squeeze %dma_wait3A_321 : memref<1x1x72xi32, #tpu.memory_space<vmem>> -> memref<72xi32, #tpu.memory_space<vmem>>
      %dma_wait3A_323 = arith.constant 0 : i32
      %dma_wait3A_324 = arith.constant 0 : i32
      %dma_wait3A_325 = tpu.memref_slice %arg2[%dma_wait3A_323, %dma_wait3A_324] : memref<400000x32xi32, #tpu.memory_space<hbm>> -> memref<400000x32xi32, #tpu.memory_space<hbm>>
      tpu.wait_indirect_dma semaphore(%arg12 : memref<!tpu.dma_semaphore, #tpu.memory_space<semaphore_mem>>) src(%dma_wait3A_325 : memref<400000x32xi32, #tpu.memory_space<hbm>>) dst(%dma_wait3A_319 : memref<72x32xi32, #tpu.memory_space<vmem>>)
      %dma_wait3A_326 = arith.constant 1 : i32
      %dma_wait3A_327 = arith.constant 128 : i32
      %dma_wait3A_328 = arith.constant 0 : i32
      %dma_wait3A_329 = tpu.memref_slice %arg9[%dma_wait3A_326, %dma_wait3A_327, %dma_wait3A_328] : memref<2x200x32xi32, #tpu.memory_space<vmem>> -> memref<1x72x32xi32, #tpu.memory_space<vmem>>
      %dma_wait3A_330 = tpu.memref_squeeze %dma_wait3A_329 : memref<1x72x32xi32, #tpu.memory_space<vmem>> -> memref<72x32xi32, #tpu.memory_space<vmem>>
      %dma_wait3A_331 = arith.constant 128 : i32
      %dma_wait3A_332 = tpu.memref_slice %arg7[%select_n3A_276, %select_n3A_292, %dma_wait3A_331] : memref<32x4x200xi32, #tpu.memory_space<vmem>> -> memref<1x1x72xi32, #tpu.memory_space<vmem>>
      %dma_wait3A_333 = tpu.memref_squeeze %dma_wait3A_332 : memref<1x1x72xi32, #tpu.memory_space<vmem>> -> memref<72xi32, #tpu.memory_space<vmem>>
      %dma_wait3A_334 = arith.constant 0 : i32
      %dma_wait3A_335 = arith.constant 0 : i32
      %dma_wait3A_336 = tpu.memref_slice %arg2[%dma_wait3A_334, %dma_wait3A_335] : memref<400000x32xi32, #tpu.memory_space<hbm>> -> memref<400000x32xi32, #tpu.memory_space<hbm>>
      tpu.wait_indirect_dma semaphore(%arg12 : memref<!tpu.dma_semaphore, #tpu.memory_space<semaphore_mem>>) src(%dma_wait3A_336 : memref<400000x32xi32, #tpu.memory_space<hbm>>) dst(%dma_wait3A_330 : memref<72x32xi32, #tpu.memory_space<vmem>>)
      %lt3A_337 = arith.constant 63 : i32
      %lt3A_338 = arith.cmpi slt, %scan3A_63, %lt3A_337 : i32
      %convert_element_type3A = arith.extui %lt3A_338 : i1 to i32
      %cond3A = arith.constant 0 : i32
      %cond3A_339 = arith.cmpi ne, %convert_element_type3A, %cond3A : i32
      scf.if %cond3A_339 {
        %add3A_368 = arith.constant 1 : i32
        %add3A_369 = arith.addi %add3A_252, %add3A_368 : i32
        %jit3A_370 = arith.constant 4 : i32
        %div3A_371 = arith.divsi %add3A_369, %jit3A_370 : i32
        %sign3A_372 = arith.constant 0 : i32
        %sign3A_373 = arith.cmpi sgt, %add3A_369, %sign3A_372 : i32
        %sign3A_374 = arith.extui %sign3A_373 : i1 to i32
        %sign3A_375 = arith.constant 0 : i32
        %sign3A_376 = arith.cmpi slt, %add3A_369, %sign3A_375 : i32
        %sign3A_377 = arith.extui %sign3A_376 : i1 to i32
        %sign3A_378 = arith.subi %sign3A_374, %sign3A_377 : i32
        %sign3A_379 = arith.constant 0 : i32
        %sign3A_380 = arith.cmpi sgt, %jit3A_370, %sign3A_379 : i32
        %sign3A_381 = arith.extui %sign3A_380 : i1 to i32
        %sign3A_382 = arith.constant 0 : i32
        %sign3A_383 = arith.cmpi slt, %jit3A_370, %sign3A_382 : i32
        %sign3A_384 = arith.extui %sign3A_383 : i1 to i32
        %sign3A_385 = arith.subi %sign3A_381, %sign3A_384 : i32
        %ne3A_386 = arith.cmpi ne, %sign3A_378, %sign3A_385 : i32
        %rem3A_387 = arith.remsi %add3A_369, %jit3A_370 : i32
        %ne3A_388 = arith.constant 0 : i32
        %ne3A_389 = arith.cmpi ne, %rem3A_387, %ne3A_388 : i32
        %and3A_390 = arith.andi %ne3A_386, %ne3A_389 : i1
        %sub3A_391 = arith.constant 1 : i32
        %sub3A_392 = arith.subi %div3A_371, %sub3A_391 : i32
        %select_n3A_393 = arith.select %and3A_390, %sub3A_392, %div3A_371 : i32
        %jit3A_394 = arith.constant 4 : i32
        %eq3A_395 = arith.constant 0 : i32
        %eq3A_396 = arith.cmpi eq, %jit3A_394, %eq3A_395 : i32
        %jit3A_397 = arith.constant 1 : i32
        %select_n3A_398 = arith.select %eq3A_396, %jit3A_397, %jit3A_394 : i32
        %rem3A_399 = arith.remsi %add3A_369, %select_n3A_398 : i32
        %ne3A_400 = arith.constant 0 : i32
        %ne3A_401 = arith.cmpi ne, %rem3A_399, %ne3A_400 : i32
        %lt3A_402 = arith.constant 0 : i32
        %lt3A_403 = arith.cmpi slt, %rem3A_399, %lt3A_402 : i32
        %lt3A_404 = arith.constant 0 : i32
        %lt3A_405 = arith.cmpi slt, %select_n3A_398, %lt3A_404 : i32
        %ne3A_406 = arith.xori %lt3A_403, %lt3A_405 : i1
        %and3A_407 = arith.andi %ne3A_406, %ne3A_401 : i1
        %add3A_408 = arith.addi %rem3A_399, %select_n3A_398 : i32
        %select_n3A_409 = arith.select %and3A_407, %add3A_408, %rem3A_399 : i32
        %dma_start3A_410 = arith.constant 0 : i32
        %dma_start3A_411 = arith.constant 0 : i32
        %dma_start3A_412 = arith.constant 0 : i32
        %dma_start3A_413 = tpu.memref_slice %arg8[%dma_start3A_410, %dma_start3A_411, %dma_start3A_412] : memref<2x200x32xi32, #tpu.memory_space<vmem>> -> memref<1x128x32xi32, #tpu.memory_space<vmem>>
        %dma_start3A_414 = tpu.memref_squeeze %dma_start3A_413 : memref<1x128x32xi32, #tpu.memory_space<vmem>> -> memref<128x32xi32, #tpu.memory_space<vmem>>
        %dma_start3A_415 = arith.constant 0 : i32
        %dma_start3A_416 = tpu.memref_slice %arg6[%select_n3A_393, %select_n3A_409, %dma_start3A_415] : memref<32x4x200xi32, #tpu.memory_space<vmem>> -> memref<1x1x128xi32, #tpu.memory_space<vmem>>
        %dma_start3A_417 = tpu.memref_squeeze %dma_start3A_416 : memref<1x1x128xi32, #tpu.memory_space<vmem>> -> memref<128xi32, #tpu.memory_space<vmem>>
        %dma_start3A_418 = arith.constant 0 : i32
        %dma_start3A_419 = arith.constant 0 : i32
        %dma_start3A_420 = tpu.memref_slice %arg2[%dma_start3A_418, %dma_start3A_419] : memref<400000x32xi32, #tpu.memory_space<hbm>> -> memref<400000x32xi32, #tpu.memory_space<hbm>>
        tpu.enqueue_indirect_dma source(%dma_start3A_420 : memref<400000x32xi32, #tpu.memory_space<hbm>>) target(%dma_start3A_414 : memref<128x32xi32, #tpu.memory_space<vmem>>) offsets(%dma_start3A_417 : memref<128xi32, #tpu.memory_space<vmem>>) semaphore(%arg11 : memref<!tpu.dma_semaphore, #tpu.memory_space<semaphore_mem>>)
        %dma_start3A_421 = arith.constant 0 : i32
        %dma_start3A_422 = arith.constant 0 : i32
        %dma_start3A_423 = arith.constant 0 : i32
        %dma_start3A_424 = tpu.memref_slice %arg9[%dma_start3A_421, %dma_start3A_422, %dma_start3A_423] : memref<2x200x32xi32, #tpu.memory_space<vmem>> -> memref<1x128x32xi32, #tpu.memory_space<vmem>>
        %dma_start3A_425 = tpu.memref_squeeze %dma_start3A_424 : memref<1x128x32xi32, #tpu.memory_space<vmem>> -> memref<128x32xi32, #tpu.memory_space<vmem>>
        %dma_start3A_426 = arith.constant 0 : i32
        %dma_start3A_427 = tpu.memref_slice %arg7[%select_n3A_393, %select_n3A_409, %dma_start3A_426] : memref<32x4x200xi32, #tpu.memory_space<vmem>> -> memref<1x1x128xi32, #tpu.memory_space<vmem>>
        %dma_start3A_428 = tpu.memref_squeeze %dma_start3A_427 : memref<1x1x128xi32, #tpu.memory_space<vmem>> -> memref<128xi32, #tpu.memory_space<vmem>>
        %dma_start3A_429 = arith.constant 0 : i32
        %dma_start3A_430 = arith.constant 0 : i32
        %dma_start3A_431 = tpu.memref_slice %arg2[%dma_start3A_429, %dma_start3A_430] : memref<400000x32xi32, #tpu.memory_space<hbm>> -> memref<400000x32xi32, #tpu.memory_space<hbm>>
        tpu.enqueue_indirect_dma source(%dma_start3A_431 : memref<400000x32xi32, #tpu.memory_space<hbm>>) target(%dma_start3A_425 : memref<128x32xi32, #tpu.memory_space<vmem>>) offsets(%dma_start3A_428 : memref<128xi32, #tpu.memory_space<vmem>>) semaphore(%arg11 : memref<!tpu.dma_semaphore, #tpu.memory_space<semaphore_mem>>)
        %dma_start3A_432 = arith.constant 0 : i32
        %dma_start3A_433 = arith.constant 128 : i32
        %dma_start3A_434 = arith.constant 0 : i32
        %dma_start3A_435 = tpu.memref_slice %arg8[%dma_start3A_432, %dma_start3A_433, %dma_start3A_434] : memref<2x200x32xi32, #tpu.memory_space<vmem>> -> memref<1x72x32xi32, #tpu.memory_space<vmem>>
        %dma_start3A_436 = tpu.memref_squeeze %dma_start3A_435 : memref<1x72x32xi32, #tpu.memory_space<vmem>> -> memref<72x32xi32, #tpu.memory_space<vmem>>
        %dma_start3A_437 = arith.constant 128 : i32
        %dma_start3A_438 = tpu.memref_slice %arg6[%select_n3A_393, %select_n3A_409, %dma_start3A_437] : memref<32x4x200xi32, #tpu.memory_space<vmem>> -> memref<1x1x72xi32, #tpu.memory_space<vmem>>
        %dma_start3A_439 = tpu.memref_squeeze %dma_start3A_438 : memref<1x1x72xi32, #tpu.memory_space<vmem>> -> memref<72xi32, #tpu.memory_space<vmem>>
        %dma_start3A_440 = arith.constant 0 : i32
        %dma_start3A_441 = arith.constant 0 : i32
        %dma_start3A_442 = tpu.memref_slice %arg2[%dma_start3A_440, %dma_start3A_441] : memref<400000x32xi32, #tpu.memory_space<hbm>> -> memref<400000x32xi32, #tpu.memory_space<hbm>>
        tpu.enqueue_indirect_dma source(%dma_start3A_442 : memref<400000x32xi32, #tpu.memory_space<hbm>>) target(%dma_start3A_436 : memref<72x32xi32, #tpu.memory_space<vmem>>) offsets(%dma_start3A_439 : memref<72xi32, #tpu.memory_space<vmem>>) semaphore(%arg11 : memref<!tpu.dma_semaphore, #tpu.memory_space<semaphore_mem>>)
        %dma_start3A_443 = arith.constant 0 : i32
        %dma_start3A_444 = arith.constant 128 : i32
        %dma_start3A_445 = arith.constant 0 : i32
        %dma_start3A_446 = tpu.memref_slice %arg9[%dma_start3A_443, %dma_start3A_444, %dma_start3A_445] : memref<2x200x32xi32, #tpu.memory_space<vmem>> -> memref<1x72x32xi32, #tpu.memory_space<vmem>>
        %dma_start3A_447 = tpu.memref_squeeze %dma_start3A_446 : memref<1x72x32xi32, #tpu.memory_space<vmem>> -> memref<72x32xi32, #tpu.memory_space<vmem>>
        %dma_start3A_448 = arith.constant 128 : i32
        %dma_start3A_449 = tpu.memref_slice %arg7[%select_n3A_393, %select_n3A_409, %dma_start3A_448] : memref<32x4x200xi32, #tpu.memory_space<vmem>> -> memref<1x1x72xi32, #tpu.memory_space<vmem>>
        %dma_start3A_450 = tpu.memref_squeeze %dma_start3A_449 : memref<1x1x72xi32, #tpu.memory_space<vmem>> -> memref<72xi32, #tpu.memory_space<vmem>>
        %dma_start3A_451 = arith.constant 0 : i32
        %dma_start3A_452 = arith.constant 0 : i32
        %dma_start3A_453 = tpu.memref_slice %arg2[%dma_start3A_451, %dma_start3A_452] : memref<400000x32xi32, #tpu.memory_space<hbm>> -> memref<400000x32xi32, #tpu.memory_space<hbm>>
        tpu.enqueue_indirect_dma source(%dma_start3A_453 : memref<400000x32xi32, #tpu.memory_space<hbm>>) target(%dma_start3A_447 : memref<72x32xi32, #tpu.memory_space<vmem>>) offsets(%dma_start3A_450 : memref<72xi32, #tpu.memory_space<vmem>>) semaphore(%arg11 : memref<!tpu.dma_semaphore, #tpu.memory_space<semaphore_mem>>)
      } else {
      }
      %broadcast_in_dim3A_340 = arith.constant 0.000000e+00 : f32
      %broadcast_in_dim3A_341 = vector.broadcast %broadcast_in_dim3A_340 : f32 to vector<16xf32>
      %scan3A_342 = arith.constant 0 : i32
      %scan3A_343 = arith.constant 100 : i32
      %scan3A_344 = arith.addi %scan3A_342, %scan3A_343 : i32
      %scan3A_345 = arith.constant 1 : i32
      %scan3A_346:4 = scf.for %scan3A_368 = %scan3A_342 to %scan3A_344 step %scan3A_345 iter_args(%scan3A_369 = %broadcast_in_dim3A_341, %scan3A_370 = %broadcast_in_dim3A_341, %scan3A_371 = %broadcast_in_dim3A_341, %scan3A_372 = %broadcast_in_dim3A_341) -> (vector<16xf32>, vector<16xf32>, vector<16xf32>, vector<16xf32>)  : i32 {
        %mul3A_373 = arith.constant 2 : i32
        %mul3A_374 = arith.muli %mul3A_373, %scan3A_368 : i32
        %add3A_375 = arith.constant 1 : i32
        %add3A_376 = arith.addi %mul3A_374, %add3A_375 : i32
        %mul3A_377 = arith.constant 2 : i32
        %mul3A_378 = arith.muli %mul3A_377, %scan3A_368 : i32
        %get3A = arith.constant 1 : i32
        %get3A_379 = arith.index_cast %get3A : i32 to index
        %get3A_380 = arith.index_cast %mul3A_378 : i32 to index
        %get3A_381 = arith.constant 0 : index
        %get3A_382 = tpu.vector_load %arg8[%get3A_379, %get3A_380, %get3A_381] {strides = array<i32>} : memref<2x200x32xi32, #tpu.memory_space<vmem>>, vector<1x1x16xi32>,
        %get3A_383 = vector.shape_cast %get3A_382 : vector<1x1x16xi32> to vector<16xi32>
        %shift_left3A = arith.constant 16 : i32
        %shift_left3A_384 = vector.broadcast %shift_left3A : i32 to vector<16xi32>
        %shift_left3A_385 = arith.shli %get3A_383, %shift_left3A_384 : vector<16xi32>
        %bitcast_convert_type3A = tpu.bitcast %shift_left3A_385 : vector<16xi32> -> vector<16xf32>
        %bitcast_convert_type3A_386 = tpu.bitcast %get3A_383 : vector<16xi32> -> vector<16xf32>
        %get3A_387 = arith.constant 1 : i32
        %get3A_388 = arith.index_cast %get3A_387 : i32 to index
        %get3A_389 = arith.index_cast %mul3A_378 : i32 to index
        %get3A_390 = arith.constant 0 : index
        %get3A_391 = tpu.vector_load %arg9[%get3A_388, %get3A_389, %get3A_390] {strides = array<i32>} : memref<2x200x32xi32, #tpu.memory_space<vmem>>, vector<1x1x16xi32>,
        %get3A_392 = vector.shape_cast %get3A_391 : vector<1x1x16xi32> to vector<16xi32>
        %shift_left3A_393 = arith.constant 16 : i32
        %shift_left3A_394 = vector.broadcast %shift_left3A_393 : i32 to vector<16xi32>
        %shift_left3A_395 = arith.shli %get3A_392, %shift_left3A_394 : vector<16xi32>
        %bitcast_convert_type3A_396 = tpu.bitcast %shift_left3A_395 : vector<16xi32> -> vector<16xf32>
        %bitcast_convert_type3A_397 = tpu.bitcast %get3A_392 : vector<16xi32> -> vector<16xf32>
        %add3A_398 = arith.addf %bitcast_convert_type3A, %bitcast_convert_type3A_396 : vector<16xf32>
        %max3A = arith.constant 0.000000e+00 : f32
        %max3A_399 = vector.broadcast %max3A : f32 to vector<16xf32>
        %max3A_400 = arith.maximumf %add3A_398, %max3A_399 : vector<16xf32>
        %add3A_401 = arith.addf %scan3A_369, %max3A_400 : vector<16xf32>
        %add3A_402 = arith.addf %bitcast_convert_type3A_386, %bitcast_convert_type3A_397 : vector<16xf32>
        %max3A_403 = arith.constant 0.000000e+00 : f32
        %max3A_404 = vector.broadcast %max3A_403 : f32 to vector<16xf32>
        %max3A_405 = arith.maximumf %add3A_402, %max3A_404 : vector<16xf32>
        %add3A_406 = arith.addf %scan3A_370, %max3A_405 : vector<16xf32>
        %get3A_407 = arith.constant 1 : i32
        %get3A_408 = arith.index_cast %get3A_407 : i32 to index
        %get3A_409 = arith.index_cast %mul3A_378 : i32 to index
        %get3A_410 = arith.constant 16 : index
        %get3A_411 = tpu.vector_load %arg8[%get3A_408, %get3A_409, %get3A_410] {strides = array<i32>} : memref<2x200x32xi32, #tpu.memory_space<vmem>>, vector<1x1x16xi32>,
        %get3A_412 = vector.shape_cast %get3A_411 : vector<1x1x16xi32> to vector<16xi32>
        %shift_left3A_413 = arith.constant 16 : i32
        %shift_left3A_414 = vector.broadcast %shift_left3A_413 : i32 to vector<16xi32>
        %shift_left3A_415 = arith.shli %get3A_412, %shift_left3A_414 : vector<16xi32>
        %bitcast_convert_type3A_416 = tpu.bitcast %shift_left3A_415 : vector<16xi32> -> vector<16xf32>
        %bitcast_convert_type3A_417 = tpu.bitcast %get3A_412 : vector<16xi32> -> vector<16xf32>
        %get3A_418 = arith.constant 1 : i32
        %get3A_419 = arith.index_cast %get3A_418 : i32 to index
        %get3A_420 = arith.index_cast %mul3A_378 : i32 to index
        %get3A_421 = arith.constant 16 : index
        %get3A_422 = tpu.vector_load %arg9[%get3A_419, %get3A_420, %get3A_421] {strides = array<i32>} : memref<2x200x32xi32, #tpu.memory_space<vmem>>, vector<1x1x16xi32>,
        %get3A_423 = vector.shape_cast %get3A_422 : vector<1x1x16xi32> to vector<16xi32>
        %shift_left3A_424 = arith.constant 16 : i32
        %shift_left3A_425 = vector.broadcast %shift_left3A_424 : i32 to vector<16xi32>
        %shift_left3A_426 = arith.shli %get3A_423, %shift_left3A_425 : vector<16xi32>
        %bitcast_convert_type3A_427 = tpu.bitcast %shift_left3A_426 : vector<16xi32> -> vector<16xf32>
        %bitcast_convert_type3A_428 = tpu.bitcast %get3A_423 : vector<16xi32> -> vector<16xf32>
        %add3A_429 = arith.addf %bitcast_convert_type3A_416, %bitcast_convert_type3A_427 : vector<16xf32>
        %max3A_430 = arith.constant 0.000000e+00 : f32
        %max3A_431 = vector.broadcast %max3A_430 : f32 to vector<16xf32>
        %max3A_432 = arith.maximumf %add3A_429, %max3A_431 : vector<16xf32>
        %add3A_433 = arith.addf %scan3A_371, %max3A_432 : vector<16xf32>
        %add3A_434 = arith.addf %bitcast_convert_type3A_417, %bitcast_convert_type3A_428 : vector<16xf32>
        %max3A_435 = arith.constant 0.000000e+00 : f32
        %max3A_436 = vector.broadcast %max3A_435 : f32 to vector<16xf32>
        %max3A_437 = arith.maximumf %add3A_434, %max3A_436 : vector<16xf32>
        %add3A_438 = arith.addf %scan3A_372, %max3A_437 : vector<16xf32>
        %get3A_439 = arith.constant 1 : i32
        %get3A_440 = arith.index_cast %get3A_439 : i32 to index
        %get3A_441 = arith.index_cast %add3A_376 : i32 to index
        %get3A_442 = arith.constant 0 : index
        %get3A_443 = tpu.vector_load %arg8[%get3A_440, %get3A_441, %get3A_442] {strides = array<i32>} : memref<2x200x32xi32, #tpu.memory_space<vmem>>, vector<1x1x16xi32>,
        %get3A_444 = vector.shape_cast %get3A_443 : vector<1x1x16xi32> to vector<16xi32>
        %shift_left3A_445 = arith.constant 16 : i32
        %shift_left3A_446 = vector.broadcast %shift_left3A_445 : i32 to vector<16xi32>
        %shift_left3A_447 = arith.shli %get3A_444, %shift_left3A_446 : vector<16xi32>
        %bitcast_convert_type3A_448 = tpu.bitcast %shift_left3A_447 : vector<16xi32> -> vector<16xf32>
        %bitcast_convert_type3A_449 = tpu.bitcast %get3A_444 : vector<16xi32> -> vector<16xf32>
        %get3A_450 = arith.constant 1 : i32
        %get3A_451 = arith.index_cast %get3A_450 : i32 to index
        %get3A_452 = arith.index_cast %add3A_376 : i32 to index
        %get3A_453 = arith.constant 0 : index
        %get3A_454 = tpu.vector_load %arg9[%get3A_451, %get3A_452, %get3A_453] {strides = array<i32>} : memref<2x200x32xi32, #tpu.memory_space<vmem>>, vector<1x1x16xi32>,
        %get3A_455 = vector.shape_cast %get3A_454 : vector<1x1x16xi32> to vector<16xi32>
        %shift_left3A_456 = arith.constant 16 : i32
        %shift_left3A_457 = vector.broadcast %shift_left3A_456 : i32 to vector<16xi32>
        %shift_left3A_458 = arith.shli %get3A_455, %shift_left3A_457 : vector<16xi32>
        %bitcast_convert_type3A_459 = tpu.bitcast %shift_left3A_458 : vector<16xi32> -> vector<16xf32>
        %bitcast_convert_type3A_460 = tpu.bitcast %get3A_455 : vector<16xi32> -> vector<16xf32>
        %add3A_461 = arith.addf %bitcast_convert_type3A_448, %bitcast_convert_type3A_459 : vector<16xf32>
        %max3A_462 = arith.constant 0.000000e+00 : f32
        %max3A_463 = vector.broadcast %max3A_462 : f32 to vector<16xf32>
        %max3A_464 = arith.maximumf %add3A_461, %max3A_463 : vector<16xf32>
        %add3A_465 = arith.addf %add3A_401, %max3A_464 : vector<16xf32>
        %add3A_466 = arith.addf %bitcast_convert_type3A_449, %bitcast_convert_type3A_460 : vector<16xf32>
        %max3A_467 = arith.constant 0.000000e+00 : f32
        %max3A_468 = vector.broadcast %max3A_467 : f32 to vector<16xf32>
        %max3A_469 = arith.maximumf %add3A_466, %max3A_468 : vector<16xf32>
        %add3A_470 = arith.addf %add3A_406, %max3A_469 : vector<16xf32>
        %get3A_471 = arith.constant 1 : i32
        %get3A_472 = arith.index_cast %get3A_471 : i32 to index
        %get3A_473 = arith.index_cast %add3A_376 : i32 to index
        %get3A_474 = arith.constant 16 : index
        %get3A_475 = tpu.vector_load %arg8[%get3A_472, %get3A_473, %get3A_474] {strides = array<i32>} : memref<2x200x32xi32, #tpu.memory_space<vmem>>, vector<1x1x16xi32>,
        %get3A_476 = vector.shape_cast %get3A_475 : vector<1x1x16xi32> to vector<16xi32>
        %shift_left3A_477 = arith.constant 16 : i32
        %shift_left3A_478 = vector.broadcast %shift_left3A_477 : i32 to vector<16xi32>
        %shift_left3A_479 = arith.shli %get3A_476, %shift_left3A_478 : vector<16xi32>
        %bitcast_convert_type3A_480 = tpu.bitcast %shift_left3A_479 : vector<16xi32> -> vector<16xf32>
        %bitcast_convert_type3A_481 = tpu.bitcast %get3A_476 : vector<16xi32> -> vector<16xf32>
        %get3A_482 = arith.constant 1 : i32
        %get3A_483 = arith.index_cast %get3A_482 : i32 to index
        %get3A_484 = arith.index_cast %add3A_376 : i32 to index
        %get3A_485 = arith.constant 16 : index
        %get3A_486 = tpu.vector_load %arg9[%get3A_483, %get3A_484, %get3A_485] {strides = array<i32>} : memref<2x200x32xi32, #tpu.memory_space<vmem>>, vector<1x1x16xi32>,
        %get3A_487 = vector.shape_cast %get3A_486 : vector<1x1x16xi32> to vector<16xi32>
        %shift_left3A_488 = arith.constant 16 : i32
        %shift_left3A_489 = vector.broadcast %shift_left3A_488 : i32 to vector<16xi32>
        %shift_left3A_490 = arith.shli %get3A_487, %shift_left3A_489 : vector<16xi32>
        %bitcast_convert_type3A_491 = tpu.bitcast %shift_left3A_490 : vector<16xi32> -> vector<16xf32>
        %bitcast_convert_type3A_492 = tpu.bitcast %get3A_487 : vector<16xi32> -> vector<16xf32>
        %add3A_493 = arith.addf %bitcast_convert_type3A_480, %bitcast_convert_type3A_491 : vector<16xf32>
        %max3A_494 = arith.constant 0.000000e+00 : f32
        %max3A_495 = vector.broadcast %max3A_494 : f32 to vector<16xf32>
        %max3A_496 = arith.maximumf %add3A_493, %max3A_495 : vector<16xf32>
        %add3A_497 = arith.addf %add3A_433, %max3A_496 : vector<16xf32>
        %add3A_498 = arith.addf %bitcast_convert_type3A_481, %bitcast_convert_type3A_492 : vector<16xf32>
        %max3A_499 = arith.constant 0.000000e+00 : f32
        %max3A_500 = vector.broadcast %max3A_499 : f32 to vector<16xf32>
        %max3A_501 = arith.maximumf %add3A_498, %max3A_500 : vector<16xf32>
        %add3A_502 = arith.addf %add3A_438, %max3A_501 : vector<16xf32>
        scf.yield %add3A_465, %add3A_470, %add3A_497, %add3A_502 : vector<16xf32>, vector<16xf32>, vector<16xf32>, vector<16xf32>
      }
      %scan3A_347 = arith.constant 100 : i32
      %swap3A_348 = arith.index_cast %add3A_252 : i32 to index
      %swap3A_349 = arith.constant 0 : index
      %swap3A_350 = tpu.vector_load %arg10[%swap3A_348, %swap3A_349] {strides = array<i32>} : memref<128x64xf32, #tpu.memory_space<vmem>>, vector<1x16xf32>,
      %swap3A_351 = vector.shape_cast %swap3A_350 : vector<1x16xf32> to vector<16xf32>
      %swap3A_352 = vector.shape_cast %scan3A_346#0 : vector<16xf32> to vector<1x16xf32>
      tpu.vector_store %arg10[%swap3A_348, %swap3A_349], %swap3A_352 {strides = array<i32>} : memref<128x64xf32, #tpu.memory_space<vmem>>, vector<1x16xf32>,
      %swap3A_353 = arith.index_cast %add3A_252 : i32 to index
      %swap3A_354 = arith.constant 16 : index
      %swap3A_355 = tpu.vector_load %arg10[%swap3A_353, %swap3A_354] {strides = array<i32>} : memref<128x64xf32, #tpu.memory_space<vmem>>, vector<1x16xf32>,
      %swap3A_356 = vector.shape_cast %swap3A_355 : vector<1x16xf32> to vector<16xf32>
      %swap3A_357 = vector.shape_cast %scan3A_346#2 : vector<16xf32> to vector<1x16xf32>
      tpu.vector_store %arg10[%swap3A_353, %swap3A_354], %swap3A_357 {strides = array<i32>} : memref<128x64xf32, #tpu.memory_space<vmem>>, vector<1x16xf32>,
      %swap3A_358 = arith.index_cast %add3A_252 : i32 to index
      %swap3A_359 = arith.constant 32 : index
      %swap3A_360 = tpu.vector_load %arg10[%swap3A_358, %swap3A_359] {strides = array<i32>} : memref<128x64xf32, #tpu.memory_space<vmem>>, vector<1x16xf32>,
      %swap3A_361 = vector.shape_cast %swap3A_360 : vector<1x16xf32> to vector<16xf32>
      %swap3A_362 = vector.shape_cast %scan3A_346#1 : vector<16xf32> to vector<1x16xf32>
      tpu.vector_store %arg10[%swap3A_358, %swap3A_359], %swap3A_362 {strides = array<i32>} : memref<128x64xf32, #tpu.memory_space<vmem>>, vector<1x16xf32>,
      %swap3A_363 = arith.index_cast %add3A_252 : i32 to index
      %swap3A_364 = arith.constant 48 : index
      %swap3A_365 = tpu.vector_load %arg10[%swap3A_363, %swap3A_364] {strides = array<i32>} : memref<128x64xf32, #tpu.memory_space<vmem>>, vector<1x16xf32>,
      %swap3A_366 = vector.shape_cast %swap3A_365 : vector<1x16xf32> to vector<16xf32>
      %swap3A_367 = vector.shape_cast %scan3A_346#3 : vector<16xf32> to vector<1x16xf32>
      tpu.vector_store %arg10[%swap3A_363, %swap3A_364], %swap3A_367 {strides = array<i32>} : memref<128x64xf32, #tpu.memory_space<vmem>>, vector<1x16xf32>,
    }
    %scan3A_62 = arith.constant 64 : i32
    "tpu.region"() ({
      %run_scoped3A = tpu.sem_alloc : memref<!tpu.dma_semaphore, #tpu.memory_space<semaphore_mem>>
      %dma_start3A_63 = arith.constant 0 : i32
      %dma_start3A_64 = tpu.memref_slice %arg5[%mul3A_2, %dma_start3A_63] : memref<4096x64xf32, #tpu.memory_space<hbm>> -> memref<128x64xf32, #tpu.memory_space<hbm>>
      %dma_start3A_65 = arith.constant 0 : i32
      %dma_start3A_66 = tpu.memref_slice %arg5[%mul3A_2, %dma_start3A_65] : memref<4096x64xf32, #tpu.memory_space<hbm>> -> memref<128x64xf32, #tpu.memory_space<hbm>>
      tpu.enqueue_dma source(%arg10 : memref<128x64xf32, #tpu.memory_space<vmem>>) target(%dma_start3A_66 : memref<128x64xf32, #tpu.memory_space<hbm>>) target_semaphore(%run_scoped3A : memref<!tpu.dma_semaphore, #tpu.memory_space<semaphore_mem>>)
      %dma_wait3A = arith.constant 0 : i32
      %dma_wait3A_67 = tpu.memref_slice %arg5[%mul3A_2, %dma_wait3A] : memref<4096x64xf32, #tpu.memory_space<hbm>> -> memref<128x64xf32, #tpu.memory_space<hbm>>
      %dma_wait3A_68 = arith.constant 0 : i32
      %dma_wait3A_69 = tpu.memref_slice %arg5[%mul3A_2, %dma_wait3A_68] : memref<4096x64xf32, #tpu.memory_space<hbm>> -> memref<128x64xf32, #tpu.memory_space<hbm>>
      tpu.wait_dma2 semaphore(%run_scoped3A : memref<!tpu.dma_semaphore, #tpu.memory_space<semaphore_mem>>) src(%arg10 : memref<128x64xf32, #tpu.memory_space<vmem>>) dst(%dma_wait3A_69 : memref<128x64xf32, #tpu.memory_space<hbm>>)
      tpu.yield
    }) : () -> ()
    return
  }
}

module attributes {stable_mosaic.version = 14 : i64} {
  func.func @_proj_body(%arg0: i32, %arg1: memref<64x4096xf32, #tpu.memory_space<vmem>>, %arg2: memref<64x4096xf32, #tpu.memory_space<vmem>>, %arg3: memref<128x64xf32, #tpu.memory_space<vmem>>, %arg4: memref<1x64xf32, #tpu.memory_space<vmem>>, %arg5: memref<4096x128xi32, #tpu.memory_space<vmem>>) attributes {dimension_semantics = [#tpu.dimension_semantics<arbitrary>], iteration_bounds = array<i64: 25>, scalar_prefetch = 0 : i64, scratch_operands = 0 : i64, tpu.core_type = #tpu.core_type<tc>, window_params = [{transform_indices = @transform_0, window_bounds = array<i64: 64, 4096>}, {transform_indices = @transform_1, window_bounds = array<i64: 64, 4096>}, {pipeline_mode = #tpu.pipeline_mode<synchronous>, transform_indices = @transform_2, window_bounds = array<i64: 128, 64>}, {pipeline_mode = #tpu.pipeline_mode<synchronous>, transform_indices = @transform_3, window_bounds = array<i64: 1, 64>}, {transform_indices = @transform_4, window_bounds = array<i64: 4096, 128>}]} {
    %get3A = arith.constant 0 : index
    %get3A_0 = arith.constant 0 : index
    %get3A_1 = vector.load %arg3[%get3A, %get3A_0] : memref<128x64xf32, #tpu.memory_space<vmem>>, vector<64x64xf32>
    %get3A_2 = arith.constant 64 : index
    %get3A_3 = arith.constant 0 : index
    %get3A_4 = vector.load %arg3[%get3A_2, %get3A_3] : memref<128x64xf32, #tpu.memory_space<vmem>>, vector<64x64xf32>
    %get3A_5 = arith.constant 0 : index
    %get3A_6 = arith.constant 0 : index
    %get3A_7 = vector.load %arg1[%get3A_5, %get3A_6] : memref<64x4096xf32, #tpu.memory_space<vmem>>, vector<64x4096xf32>
    %dot_general3A = arith.constant dense<0.000000e+00> : vector<4096x64xf32>
    %dot_general3A_8 = tpu.matmul %get3A_7, %get3A_1, %dot_general3A {dimension_numbers = #tpu.dot_dimension_numbers<[0], [0], [1], [1], [0, 1, 1, 1], [], []>, transpose_lhs_hint = false} : vector<64x4096xf32>, vector<64x64xf32>, vector<4096x64xf32> -> vector<4096x64xf32>
    %get3A_9 = arith.constant 0 : index
    %get3A_10 = arith.constant 0 : index
    %get3A_11 = vector.load %arg4[%get3A_9, %get3A_10] : memref<1x64xf32, #tpu.memory_space<vmem>>, vector<1x64xf32>
    %add3A = vector.broadcast %get3A_11 : vector<1x64xf32> to vector<4096x64xf32>
    %add3A_12 = arith.addf %dot_general3A_8, %add3A : vector<4096x64xf32>
    %get3A_13 = arith.constant 0 : index
    %get3A_14 = arith.constant 0 : index
    %get3A_15 = vector.load %arg2[%get3A_13, %get3A_14] : memref<64x4096xf32, #tpu.memory_space<vmem>>, vector<64x4096xf32>
    %dot_general3A_16 = arith.constant dense<0.000000e+00> : vector<4096x64xf32>
    %dot_general3A_17 = tpu.matmul %get3A_15, %get3A_4, %dot_general3A_16 {dimension_numbers = #tpu.dot_dimension_numbers<[0], [0], [1], [1], [0, 1, 1, 1], [], []>, transpose_lhs_hint = false} : vector<64x4096xf32>, vector<64x64xf32>, vector<4096x64xf32> -> vector<4096x64xf32>
    %bitcast_convert_type3A = tpu.bitcast %add3A_12 : vector<4096x64xf32> -> vector<4096x64xi32>
    %add3A_18 = arith.constant 32767 : i32
    %add3A_19 = vector.broadcast %add3A_18 : i32 to vector<4096x64xi32>
    %add3A_20 = arith.addi %bitcast_convert_type3A, %add3A_19 : vector<4096x64xi32>
    %shift_right_logical3A = arith.constant 16 : i32
    %shift_right_logical3A_21 = vector.broadcast %shift_right_logical3A : i32 to vector<4096x64xi32>
    %shift_right_logical3A_22 = arith.shrui %bitcast_convert_type3A, %shift_right_logical3A_21 : vector<4096x64xi32>
    %and3A = arith.constant 1 : i32
    %and3A_23 = vector.broadcast %and3A : i32 to vector<4096x64xi32>
    %and3A_24 = arith.andi %shift_right_logical3A_22, %and3A_23 : vector<4096x64xi32>
    %add3A_25 = arith.addi %add3A_20, %and3A_24 : vector<4096x64xi32>
    %shift_right_logical3A_26 = arith.constant 16 : i32
    %shift_right_logical3A_27 = vector.broadcast %shift_right_logical3A_26 : i32 to vector<4096x64xi32>
    %shift_right_logical3A_28 = arith.shrui %add3A_25, %shift_right_logical3A_27 : vector<4096x64xi32>
    %slice3A = vector.extract_strided_slice %shift_right_logical3A_28 {offsets = [0, 0], sizes = [4096, 32], strides = [1, 1]} : vector<4096x64xi32> to vector<4096x32xi32>
    %slice3A_29 = vector.extract_strided_slice %shift_right_logical3A_28 {offsets = [0, 32], sizes = [4096, 32], strides = [1, 1]} : vector<4096x64xi32> to vector<4096x32xi32>
    %shift_left3A = arith.constant 16 : i32
    %shift_left3A_30 = vector.broadcast %shift_left3A : i32 to vector<4096x32xi32>
    %shift_left3A_31 = arith.shli %slice3A_29, %shift_left3A_30 : vector<4096x32xi32>
    %or3A = arith.ori %slice3A, %shift_left3A_31 : vector<4096x32xi32>
    %swap3A = arith.constant 0 : index
    %swap3A_32 = arith.constant 0 : index
    %swap3A_33 = vector.load %arg5[%swap3A, %swap3A_32] : memref<4096x128xi32, #tpu.memory_space<vmem>>, vector<4096x32xi32>
    tpu.vector_store %arg5[%swap3A, %swap3A_32], %or3A {strides = array<i32>} : memref<4096x128xi32, #tpu.memory_space<vmem>>, vector<4096x32xi32>,
    %bitcast_convert_type3A_34 = tpu.bitcast %dot_general3A_17 : vector<4096x64xf32> -> vector<4096x64xi32>
    %add3A_35 = arith.constant 32767 : i32
    %add3A_36 = vector.broadcast %add3A_35 : i32 to vector<4096x64xi32>
    %add3A_37 = arith.addi %bitcast_convert_type3A_34, %add3A_36 : vector<4096x64xi32>
    %shift_right_logical3A_38 = arith.constant 16 : i32
    %shift_right_logical3A_39 = vector.broadcast %shift_right_logical3A_38 : i32 to vector<4096x64xi32>
    %shift_right_logical3A_40 = arith.shrui %bitcast_convert_type3A_34, %shift_right_logical3A_39 : vector<4096x64xi32>
    %and3A_41 = arith.constant 1 : i32
    %and3A_42 = vector.broadcast %and3A_41 : i32 to vector<4096x64xi32>
    %and3A_43 = arith.andi %shift_right_logical3A_40, %and3A_42 : vector<4096x64xi32>
    %add3A_44 = arith.addi %add3A_37, %and3A_43 : vector<4096x64xi32>
    %shift_right_logical3A_45 = arith.constant 16 : i32
    %shift_right_logical3A_46 = vector.broadcast %shift_right_logical3A_45 : i32 to vector<4096x64xi32>
    %shift_right_logical3A_47 = arith.shrui %add3A_44, %shift_right_logical3A_46 : vector<4096x64xi32>
    %slice3A_48 = vector.extract_strided_slice %shift_right_logical3A_47 {offsets = [0, 0], sizes = [4096, 32], strides = [1, 1]} : vector<4096x64xi32> to vector<4096x32xi32>
    %slice3A_49 = vector.extract_strided_slice %shift_right_logical3A_47 {offsets = [0, 32], sizes = [4096, 32], strides = [1, 1]} : vector<4096x64xi32> to vector<4096x32xi32>
    %shift_left3A_50 = arith.constant 16 : i32
    %shift_left3A_51 = vector.broadcast %shift_left3A_50 : i32 to vector<4096x32xi32>
    %shift_left3A_52 = arith.shli %slice3A_49, %shift_left3A_51 : vector<4096x32xi32>
    %or3A_53 = arith.ori %slice3A_48, %shift_left3A_52 : vector<4096x32xi32>
    %swap3A_54 = arith.constant 0 : index
    %swap3A_55 = arith.constant 32 : index
    %swap3A_56 = vector.load %arg5[%swap3A_54, %swap3A_55] : memref<4096x128xi32, #tpu.memory_space<vmem>>, vector<4096x32xi32>
    tpu.vector_store %arg5[%swap3A_54, %swap3A_55], %or3A_53 {strides = array<i32>} : memref<4096x128xi32, #tpu.memory_space<vmem>>, vector<4096x32xi32>,
    return
  }
  func.func @transform_0(%arg0: i32) -> (i32, i32) {
    %c0_i32 = arith.constant 0 : i32
    %c0_i32_0 = arith.constant 0 : i32
    return %c0_i32, %arg0 : i32, i32
  }
  func.func @transform_1(%arg0: i32) -> (i32, i32) {
    %c0_i32 = arith.constant 0 : i32
    %c0_i32_0 = arith.constant 0 : i32
    return %c0_i32, %arg0 : i32, i32
  }
  func.func @transform_2(%arg0: i32) -> (i32, i32) {
    %c0_i32 = arith.constant 0 : i32
    %c0_i32_0 = arith.constant 0 : i32
    %c0_i32_1 = arith.constant 0 : i32
    return %c0_i32, %c0_i32_0 : i32, i32
  }
  func.func @transform_3(%arg0: i32) -> (i32, i32) {
    %c0_i32 = arith.constant 0 : i32
    %c0_i32_0 = arith.constant 0 : i32
    %c0_i32_1 = arith.constant 0 : i32
    return %c0_i32, %c0_i32_0 : i32, i32
  }
  func.func @transform_4(%arg0: i32) -> (i32, i32) {
    %c0_i32 = arith.constant 0 : i32
    %c0_i32_0 = arith.constant 0 : i32
    return %arg0, %c0_i32 : i32, i32
  }
}

module attributes {stable_mosaic.version = 14 : i64} {
  func.func @_tail_body(%arg0: memref<1024x256xf32, #tpu.memory_space<vmem>>, %arg1: memref<1024x128xf32, #tpu.memory_space<vmem>>, %arg2: memref<1024x4xf32, #tpu.memory_space<vmem>>, %arg3: memref<1x64xf32, #tpu.memory_space<vmem>>, %arg4: memref<1x64xf32, #tpu.memory_space<vmem>>, %arg5: memref<1x32xf32, #tpu.memory_space<vmem>>, %arg6: memref<1x32xf32, #tpu.memory_space<vmem>>, %arg7: memref<64x64xf32, #tpu.memory_space<vmem>>, %arg8: memref<32x64xf32, #tpu.memory_space<vmem>>, %arg9: memref<1x64xf32, #tpu.memory_space<vmem>>, %arg10: memref<64x1xf32, #tpu.memory_space<vmem>>, %arg11: memref<1x1xf32, #tpu.memory_space<vmem>>, %arg12: memref<1024x1xf32, #tpu.memory_space<vmem>>) attributes {dimension_semantics = [], scalar_prefetch = 0 : i64, scratch_operands = 0 : i64, tpu.core_type = #tpu.core_type<tc>} {
    %get3A = arith.constant 0 : index
    %get3A_0 = arith.constant 0 : index
    %get3A_1 = vector.load %arg2[%get3A, %get3A_0] : memref<1024x4xf32, #tpu.memory_space<vmem>>, vector<1024x4xf32>
    %reduce_sum3A = arith.constant dense<0.000000e+00> : vector<1024xf32>
    %reduce_sum3A_2 = vector.multi_reduction <add>, %get3A_1, %reduce_sum3A [1] : vector<1024x4xf32> to vector<1024xf32>
    %broadcast_in_dim3A = vector.shape_cast %reduce_sum3A_2 : vector<1024xf32> to vector<1024x1xf32>
    %add3A = arith.constant 9.99999993E-9 : f32
    %add3A_3 = vector.broadcast %add3A : f32 to vector<1024x1xf32>
    %add3A_4 = arith.addf %broadcast_in_dim3A, %add3A_3 : vector<1024x1xf32>
    %div3A = vector.broadcast %add3A_4 : vector<1024x1xf32> to vector<1024x4xf32>
    %div3A_5 = arith.divf %get3A_1, %div3A : vector<1024x4xf32>
    %mul3A = arith.constant 5.000000e-03 : f32
    %mul3A_6 = vector.broadcast %mul3A : f32 to vector<1024x4xf32>
    %mul3A_7 = arith.mulf %div3A_5, %mul3A_6 : vector<1024x4xf32>
    %broadcast_in_dim3A_8 = arith.constant 0.000000e+00 : f32
    %broadcast_in_dim3A_9 = vector.broadcast %broadcast_in_dim3A_8 : f32 to vector<1024x64xf32>
    %broadcast_in_dim3A_10 = arith.constant 0.000000e+00 : f32
    %broadcast_in_dim3A_11 = vector.broadcast %broadcast_in_dim3A_10 : f32 to vector<1024x32xf32>
    %get3A_12 = arith.constant 0 : index
    %get3A_13 = arith.constant 0 : index
    %get3A_14 = vector.load %arg0[%get3A_12, %get3A_13] : memref<1024x256xf32, #tpu.memory_space<vmem>>, vector<1024x64xf32>
    %get3A_15 = arith.constant 0 : index
    %get3A_16 = arith.constant 0 : index
    %get3A_17 = vector.load %arg1[%get3A_15, %get3A_16] : memref<1024x128xf32, #tpu.memory_space<vmem>>, vector<1024x32xf32>
    %jit3A = arith.constant 0.000000e+00 : f32
    %jit3A_18 = arith.constant -1.000000e+03 : f32
    %jit3A_19 = arith.constant 1.000000e+03 : f32
    %ne3A = arith.cmpf one, %get3A_17, %get3A_17 : vector<1024x32xf32>
    %broadcast_in_dim3A_20 = vector.broadcast %jit3A : f32 to vector<1024x32xf32>
    %select_n3A = arith.select %ne3A, %broadcast_in_dim3A_20, %get3A_17 : vector<1024x32xi1>, vector<1024x32xf32>
    %eq3A = arith.constant 0x7F800000 : f32
    %eq3A_21 = vector.broadcast %eq3A : f32 to vector<1024x32xf32>
    %eq3A_22 = arith.cmpf oeq, %select_n3A, %eq3A_21 : vector<1024x32xf32>
    %broadcast_in_dim3A_23 = vector.broadcast %jit3A_19 : f32 to vector<1024x32xf32>
    %select_n3A_24 = arith.select %eq3A_22, %broadcast_in_dim3A_23, %select_n3A : vector<1024x32xi1>, vector<1024x32xf32>
    %eq3A_25 = arith.constant 0xFF800000 : f32
    %eq3A_26 = vector.broadcast %eq3A_25 : f32 to vector<1024x32xf32>
    %eq3A_27 = arith.cmpf oeq, %select_n3A_24, %eq3A_26 : vector<1024x32xf32>
    %broadcast_in_dim3A_28 = vector.broadcast %jit3A_18 : f32 to vector<1024x32xf32>
    %select_n3A_29 = arith.select %eq3A_27, %broadcast_in_dim3A_28, %select_n3A_24 : vector<1024x32xi1>, vector<1024x32xf32>
    %slice3A = vector.extract_strided_slice %mul3A_7 {offsets = [0, 0], sizes = [1024, 1], strides = [1, 1]} : vector<1024x4xf32> to vector<1024x1xf32>
    %mul3A_30 = vector.broadcast %slice3A : vector<1024x1xf32> to vector<1024x64xf32>
    %mul3A_31 = arith.mulf %mul3A_30, %get3A_14 : vector<1024x64xf32>
    %add3A_32 = arith.addf %broadcast_in_dim3A_9, %mul3A_31 : vector<1024x64xf32>
    %slice3A_33 = vector.extract_strided_slice %div3A_5 {offsets = [0, 0], sizes = [1024, 1], strides = [1, 1]} : vector<1024x4xf32> to vector<1024x1xf32>
    %mul3A_34 = vector.broadcast %slice3A_33 : vector<1024x1xf32> to vector<1024x32xf32>
    %mul3A_35 = arith.mulf %mul3A_34, %select_n3A_29 : vector<1024x32xf32>
    %add3A_36 = arith.addf %broadcast_in_dim3A_11, %mul3A_35 : vector<1024x32xf32>
    %get3A_37 = arith.constant 0 : index
    %get3A_38 = arith.constant 64 : index
    %get3A_39 = vector.load %arg0[%get3A_37, %get3A_38] : memref<1024x256xf32, #tpu.memory_space<vmem>>, vector<1024x64xf32>
    %get3A_40 = arith.constant 0 : index
    %get3A_41 = arith.constant 32 : index
    %get3A_42 = vector.load %arg1[%get3A_40, %get3A_41] : memref<1024x128xf32, #tpu.memory_space<vmem>>, vector<1024x32xf32>
    %jit3A_43 = arith.constant 0.000000e+00 : f32
    %jit3A_44 = arith.constant -1.000000e+03 : f32
    %jit3A_45 = arith.constant 1.000000e+03 : f32
    %ne3A_46 = arith.cmpf one, %get3A_42, %get3A_42 : vector<1024x32xf32>
    %broadcast_in_dim3A_47 = vector.broadcast %jit3A_43 : f32 to vector<1024x32xf32>
    %select_n3A_48 = arith.select %ne3A_46, %broadcast_in_dim3A_47, %get3A_42 : vector<1024x32xi1>, vector<1024x32xf32>
    %eq3A_49 = arith.constant 0x7F800000 : f32
    %eq3A_50 = vector.broadcast %eq3A_49 : f32 to vector<1024x32xf32>
    %eq3A_51 = arith.cmpf oeq, %select_n3A_48, %eq3A_50 : vector<1024x32xf32>
    %broadcast_in_dim3A_52 = vector.broadcast %jit3A_45 : f32 to vector<1024x32xf32>
    %select_n3A_53 = arith.select %eq3A_51, %broadcast_in_dim3A_52, %select_n3A_48 : vector<1024x32xi1>, vector<1024x32xf32>
    %eq3A_54 = arith.constant 0xFF800000 : f32
    %eq3A_55 = vector.broadcast %eq3A_54 : f32 to vector<1024x32xf32>
    %eq3A_56 = arith.cmpf oeq, %select_n3A_53, %eq3A_55 : vector<1024x32xf32>
    %broadcast_in_dim3A_57 = vector.broadcast %jit3A_44 : f32 to vector<1024x32xf32>
    %select_n3A_58 = arith.select %eq3A_56, %broadcast_in_dim3A_57, %select_n3A_53 : vector<1024x32xi1>, vector<1024x32xf32>
    %slice3A_59 = vector.extract_strided_slice %mul3A_7 {offsets = [0, 1], sizes = [1024, 1], strides = [1, 1]} : vector<1024x4xf32> to vector<1024x1xf32>
    %mul3A_60 = vector.broadcast %slice3A_59 : vector<1024x1xf32> to vector<1024x64xf32>
    %mul3A_61 = arith.mulf %mul3A_60, %get3A_39 : vector<1024x64xf32>
    %add3A_62 = arith.addf %add3A_32, %mul3A_61 : vector<1024x64xf32>
    %slice3A_63 = vector.extract_strided_slice %div3A_5 {offsets = [0, 1], sizes = [1024, 1], strides = [1, 1]} : vector<1024x4xf32> to vector<1024x1xf32>
    %mul3A_64 = vector.broadcast %slice3A_63 : vector<1024x1xf32> to vector<1024x32xf32>
    %mul3A_65 = arith.mulf %mul3A_64, %select_n3A_58 : vector<1024x32xf32>
    %add3A_66 = arith.addf %add3A_36, %mul3A_65 : vector<1024x32xf32>
    %get3A_67 = arith.constant 0 : index
    %get3A_68 = arith.constant 128 : index
    %get3A_69 = vector.load %arg0[%get3A_67, %get3A_68] : memref<1024x256xf32, #tpu.memory_space<vmem>>, vector<1024x64xf32>
    %get3A_70 = arith.constant 0 : index
    %get3A_71 = arith.constant 64 : index
    %get3A_72 = vector.load %arg1[%get3A_70, %get3A_71] : memref<1024x128xf32, #tpu.memory_space<vmem>>, vector<1024x32xf32>
    %jit3A_73 = arith.constant 0.000000e+00 : f32
    %jit3A_74 = arith.constant -1.000000e+03 : f32
    %jit3A_75 = arith.constant 1.000000e+03 : f32
    %ne3A_76 = arith.cmpf one, %get3A_72, %get3A_72 : vector<1024x32xf32>
    %broadcast_in_dim3A_77 = vector.broadcast %jit3A_73 : f32 to vector<1024x32xf32>
    %select_n3A_78 = arith.select %ne3A_76, %broadcast_in_dim3A_77, %get3A_72 : vector<1024x32xi1>, vector<1024x32xf32>
    %eq3A_79 = arith.constant 0x7F800000 : f32
    %eq3A_80 = vector.broadcast %eq3A_79 : f32 to vector<1024x32xf32>
    %eq3A_81 = arith.cmpf oeq, %select_n3A_78, %eq3A_80 : vector<1024x32xf32>
    %broadcast_in_dim3A_82 = vector.broadcast %jit3A_75 : f32 to vector<1024x32xf32>
    %select_n3A_83 = arith.select %eq3A_81, %broadcast_in_dim3A_82, %select_n3A_78 : vector<1024x32xi1>, vector<1024x32xf32>
    %eq3A_84 = arith.constant 0xFF800000 : f32
    %eq3A_85 = vector.broadcast %eq3A_84 : f32 to vector<1024x32xf32>
    %eq3A_86 = arith.cmpf oeq, %select_n3A_83, %eq3A_85 : vector<1024x32xf32>
    %broadcast_in_dim3A_87 = vector.broadcast %jit3A_74 : f32 to vector<1024x32xf32>
    %select_n3A_88 = arith.select %eq3A_86, %broadcast_in_dim3A_87, %select_n3A_83 : vector<1024x32xi1>, vector<1024x32xf32>
    %slice3A_89 = vector.extract_strided_slice %mul3A_7 {offsets = [0, 2], sizes = [1024, 1], strides = [1, 1]} : vector<1024x4xf32> to vector<1024x1xf32>
    %mul3A_90 = vector.broadcast %slice3A_89 : vector<1024x1xf32> to vector<1024x64xf32>
    %mul3A_91 = arith.mulf %mul3A_90, %get3A_69 : vector<1024x64xf32>
    %add3A_92 = arith.addf %add3A_62, %mul3A_91 : vector<1024x64xf32>
    %slice3A_93 = vector.extract_strided_slice %div3A_5 {offsets = [0, 2], sizes = [1024, 1], strides = [1, 1]} : vector<1024x4xf32> to vector<1024x1xf32>
    %mul3A_94 = vector.broadcast %slice3A_93 : vector<1024x1xf32> to vector<1024x32xf32>
    %mul3A_95 = arith.mulf %mul3A_94, %select_n3A_88 : vector<1024x32xf32>
    %add3A_96 = arith.addf %add3A_66, %mul3A_95 : vector<1024x32xf32>
    %get3A_97 = arith.constant 0 : index
    %get3A_98 = arith.constant 192 : index
    %get3A_99 = vector.load %arg0[%get3A_97, %get3A_98] : memref<1024x256xf32, #tpu.memory_space<vmem>>, vector<1024x64xf32>
    %get3A_100 = arith.constant 0 : index
    %get3A_101 = arith.constant 96 : index
    %get3A_102 = vector.load %arg1[%get3A_100, %get3A_101] : memref<1024x128xf32, #tpu.memory_space<vmem>>, vector<1024x32xf32>
    %jit3A_103 = arith.constant 0.000000e+00 : f32
    %jit3A_104 = arith.constant -1.000000e+03 : f32
    %jit3A_105 = arith.constant 1.000000e+03 : f32
    %ne3A_106 = arith.cmpf one, %get3A_102, %get3A_102 : vector<1024x32xf32>
    %broadcast_in_dim3A_107 = vector.broadcast %jit3A_103 : f32 to vector<1024x32xf32>
    %select_n3A_108 = arith.select %ne3A_106, %broadcast_in_dim3A_107, %get3A_102 : vector<1024x32xi1>, vector<1024x32xf32>
    %eq3A_109 = arith.constant 0x7F800000 : f32
    %eq3A_110 = vector.broadcast %eq3A_109 : f32 to vector<1024x32xf32>
    %eq3A_111 = arith.cmpf oeq, %select_n3A_108, %eq3A_110 : vector<1024x32xf32>
    %broadcast_in_dim3A_112 = vector.broadcast %jit3A_105 : f32 to vector<1024x32xf32>
    %select_n3A_113 = arith.select %eq3A_111, %broadcast_in_dim3A_112, %select_n3A_108 : vector<1024x32xi1>, vector<1024x32xf32>
    %eq3A_114 = arith.constant 0xFF800000 : f32
    %eq3A_115 = vector.broadcast %eq3A_114 : f32 to vector<1024x32xf32>
    %eq3A_116 = arith.cmpf oeq, %select_n3A_113, %eq3A_115 : vector<1024x32xf32>
    %broadcast_in_dim3A_117 = vector.broadcast %jit3A_104 : f32 to vector<1024x32xf32>
    %select_n3A_118 = arith.select %eq3A_116, %broadcast_in_dim3A_117, %select_n3A_113 : vector<1024x32xi1>, vector<1024x32xf32>
    %slice3A_119 = vector.extract_strided_slice %mul3A_7 {offsets = [0, 3], sizes = [1024, 1], strides = [1, 1]} : vector<1024x4xf32> to vector<1024x1xf32>
    %mul3A_120 = vector.broadcast %slice3A_119 : vector<1024x1xf32> to vector<1024x64xf32>
    %mul3A_121 = arith.mulf %mul3A_120, %get3A_99 : vector<1024x64xf32>
    %add3A_122 = arith.addf %add3A_92, %mul3A_121 : vector<1024x64xf32>
    %slice3A_123 = vector.extract_strided_slice %div3A_5 {offsets = [0, 3], sizes = [1024, 1], strides = [1, 1]} : vector<1024x4xf32> to vector<1024x1xf32>
    %mul3A_124 = vector.broadcast %slice3A_123 : vector<1024x1xf32> to vector<1024x32xf32>
    %mul3A_125 = arith.mulf %mul3A_124, %select_n3A_118 : vector<1024x32xf32>
    %add3A_126 = arith.addf %add3A_96, %mul3A_125 : vector<1024x32xf32>
    %reduce_sum3A_127 = arith.constant dense<0.000000e+00> : vector<1024xf32>
    %reduce_sum3A_128 = vector.multi_reduction <add>, %add3A_122, %reduce_sum3A_127 [1] : vector<1024x64xf32> to vector<1024xf32>
    %broadcast_in_dim3A_129 = vector.shape_cast %reduce_sum3A_128 : vector<1024xf32> to vector<1024x1xf32>
    %reduce_sum3A_130 = arith.constant dense<0.000000e+00> : vector<1024xf32>
    %reduce_sum3A_131 = vector.multi_reduction <add>, %add3A_126, %reduce_sum3A_130 [1] : vector<1024x32xf32> to vector<1024xf32>
    %broadcast_in_dim3A_132 = vector.shape_cast %reduce_sum3A_131 : vector<1024xf32> to vector<1024x1xf32>
    %add3A_133 = arith.addf %broadcast_in_dim3A_129, %broadcast_in_dim3A_132 : vector<1024x1xf32>
    %mul3A_134 = arith.constant 0.0111111114 : f32
    %mul3A_135 = vector.broadcast %mul3A_134 : f32 to vector<1024x1xf32>
    %mul3A_136 = arith.mulf %add3A_133, %mul3A_135 : vector<1024x1xf32>
    %sub3A = vector.broadcast %mul3A_136 : vector<1024x1xf32> to vector<1024x64xf32>
    %sub3A_137 = arith.subf %add3A_122, %sub3A : vector<1024x64xf32>
    %sub3A_138 = vector.broadcast %mul3A_136 : vector<1024x1xf32> to vector<1024x32xf32>
    %sub3A_139 = arith.subf %add3A_126, %sub3A_138 : vector<1024x32xf32>
    %mul3A_140 = arith.mulf %sub3A_137, %sub3A_137 : vector<1024x64xf32>
    %reduce_sum3A_141 = arith.constant dense<0.000000e+00> : vector<1024xf32>
    %reduce_sum3A_142 = vector.multi_reduction <add>, %mul3A_140, %reduce_sum3A_141 [1] : vector<1024x64xf32> to vector<1024xf32>
    %broadcast_in_dim3A_143 = vector.shape_cast %reduce_sum3A_142 : vector<1024xf32> to vector<1024x1xf32>
    %mul3A_144 = arith.mulf %sub3A_139, %sub3A_139 : vector<1024x32xf32>
    %reduce_sum3A_145 = arith.constant dense<0.000000e+00> : vector<1024xf32>
    %reduce_sum3A_146 = vector.multi_reduction <add>, %mul3A_144, %reduce_sum3A_145 [1] : vector<1024x32xf32> to vector<1024xf32>
    %broadcast_in_dim3A_147 = vector.shape_cast %reduce_sum3A_146 : vector<1024xf32> to vector<1024x1xf32>
    %add3A_148 = arith.addf %broadcast_in_dim3A_143, %broadcast_in_dim3A_147 : vector<1024x1xf32>
    %mul3A_149 = arith.constant 6.000000e+00 : f32
    %mul3A_150 = vector.broadcast %mul3A_149 : f32 to vector<1024x1xf32>
    %mul3A_151 = arith.mulf %mul3A_150, %mul3A_136 : vector<1024x1xf32>
    %mul3A_152 = arith.mulf %mul3A_151, %mul3A_136 : vector<1024x1xf32>
    %sub3A_153 = arith.subf %add3A_148, %mul3A_152 : vector<1024x1xf32>
    %mul3A_154 = arith.constant 0.0111111114 : f32
    %mul3A_155 = vector.broadcast %mul3A_154 : f32 to vector<1024x1xf32>
    %mul3A_156 = arith.mulf %sub3A_153, %mul3A_155 : vector<1024x1xf32>
    %add3A_157 = arith.constant 9.99999974E-6 : f32
    %add3A_158 = vector.broadcast %add3A_157 : f32 to vector<1024x1xf32>
    %add3A_159 = arith.addf %mul3A_156, %add3A_158 : vector<1024x1xf32>
    %rsqrt3A = math.rsqrt %add3A_159 : vector<1024x1xf32>
    %mul3A_160 = vector.broadcast %rsqrt3A : vector<1024x1xf32> to vector<1024x64xf32>
    %mul3A_161 = arith.mulf %sub3A_137, %mul3A_160 : vector<1024x64xf32>
    %get3A_162 = arith.constant 0 : index
    %get3A_163 = arith.constant 0 : index
    %get3A_164 = vector.load %arg3[%get3A_162, %get3A_163] : memref<1x64xf32, #tpu.memory_space<vmem>>, vector<1x64xf32>
    %mul3A_165 = vector.broadcast %get3A_164 : vector<1x64xf32> to vector<1024x64xf32>
    %mul3A_166 = arith.mulf %mul3A_161, %mul3A_165 : vector<1024x64xf32>
    %get3A_167 = arith.constant 0 : index
    %get3A_168 = arith.constant 0 : index
    %get3A_169 = vector.load %arg4[%get3A_167, %get3A_168] : memref<1x64xf32, #tpu.memory_space<vmem>>, vector<1x64xf32>
    %add3A_170 = vector.broadcast %get3A_169 : vector<1x64xf32> to vector<1024x64xf32>
    %add3A_171 = arith.addf %mul3A_166, %add3A_170 : vector<1024x64xf32>
    %mul3A_172 = vector.broadcast %rsqrt3A : vector<1024x1xf32> to vector<1024x32xf32>
    %mul3A_173 = arith.mulf %sub3A_139, %mul3A_172 : vector<1024x32xf32>
    %get3A_174 = arith.constant 0 : index
    %get3A_175 = arith.constant 0 : index
    %get3A_176 = vector.load %arg5[%get3A_174, %get3A_175] : memref<1x32xf32, #tpu.memory_space<vmem>>, vector<1x32xf32>
    %mul3A_177 = vector.broadcast %get3A_176 : vector<1x32xf32> to vector<1024x32xf32>
    %mul3A_178 = arith.mulf %mul3A_173, %mul3A_177 : vector<1024x32xf32>
    %get3A_179 = arith.constant 0 : index
    %get3A_180 = arith.constant 0 : index
    %get3A_181 = vector.load %arg6[%get3A_179, %get3A_180] : memref<1x32xf32, #tpu.memory_space<vmem>>, vector<1x32xf32>
    %add3A_182 = vector.broadcast %get3A_181 : vector<1x32xf32> to vector<1024x32xf32>
    %add3A_183 = arith.addf %mul3A_178, %add3A_182 : vector<1024x32xf32>
    %get3A_184 = arith.constant 0 : index
    %get3A_185 = arith.constant 0 : index
    %get3A_186 = vector.load %arg7[%get3A_184, %get3A_185] : memref<64x64xf32, #tpu.memory_space<vmem>>, vector<64x64xf32>
    %dot_general3A = arith.constant dense<0.000000e+00> : vector<1024x64xf32>
    %dot_general3A_187 = tpu.matmul %add3A_171, %get3A_186, %dot_general3A {dimension_numbers = #tpu.dot_dimension_numbers<[1], [0], [0], [1], [0, 0, 1, 1], [], []>, transpose_lhs_hint = false} : vector<1024x64xf32>, vector<64x64xf32>, vector<1024x64xf32> -> vector<1024x64xf32>
    %get3A_188 = arith.constant 0 : index
    %get3A_189 = arith.constant 0 : index
    %get3A_190 = vector.load %arg8[%get3A_188, %get3A_189] : memref<32x64xf32, #tpu.memory_space<vmem>>, vector<32x64xf32>
    %dot_general3A_191 = arith.constant dense<0.000000e+00> : vector<1024x64xf32>
    %dot_general3A_192 = tpu.matmul %add3A_183, %get3A_190, %dot_general3A_191 {dimension_numbers = #tpu.dot_dimension_numbers<[1], [0], [0], [1], [0, 0, 1, 1], [], []>, transpose_lhs_hint = false} : vector<1024x32xf32>, vector<32x64xf32>, vector<1024x64xf32> -> vector<1024x64xf32>
    %add3A_193 = arith.addf %dot_general3A_187, %dot_general3A_192 : vector<1024x64xf32>
    %get3A_194 = arith.constant 0 : index
    %get3A_195 = arith.constant 0 : index
    %get3A_196 = vector.load %arg9[%get3A_194, %get3A_195] : memref<1x64xf32, #tpu.memory_space<vmem>>, vector<1x64xf32>
    %add3A_197 = vector.broadcast %get3A_196 : vector<1x64xf32> to vector<1024x64xf32>
    %add3A_198 = arith.addf %add3A_193, %add3A_197 : vector<1024x64xf32>
    %max3A = arith.constant 0.000000e+00 : f32
    %max3A_199 = vector.broadcast %max3A : f32 to vector<1024x64xf32>
    %max3A_200 = arith.maximumf %add3A_198, %max3A_199 : vector<1024x64xf32>
    %get3A_201 = arith.constant 0 : index
    %get3A_202 = arith.constant 0 : index
    %get3A_203 = vector.load %arg10[%get3A_201, %get3A_202] : memref<64x1xf32, #tpu.memory_space<vmem>>, vector<64x1xf32>
    %dot_general3A_204 = arith.constant dense<0.000000e+00> : vector<1024x1xf32>
    %dot_general3A_205 = tpu.matmul %max3A_200, %get3A_203, %dot_general3A_204 {dimension_numbers = #tpu.dot_dimension_numbers<[1], [0], [0], [1], [0, 0, 1, 1], [], []>, transpose_lhs_hint = false} : vector<1024x64xf32>, vector<64x1xf32>, vector<1024x1xf32> -> vector<1024x1xf32>
    %get3A_206 = arith.constant 0 : index
    %get3A_207 = arith.constant 0 : index
    %get3A_208 = vector.load %arg11[%get3A_206, %get3A_207] : memref<1x1xf32, #tpu.memory_space<vmem>>, vector<1x1xf32>
    %add3A_209 = vector.broadcast %get3A_208 : vector<1x1xf32> to vector<1024x1xf32>
    %add3A_210 = arith.addf %dot_general3A_205, %add3A_209 : vector<1024x1xf32>
    %ne3A_211 = arith.cmpf one, %add3A_210, %add3A_210 : vector<1024x1xf32>
    %jit3A_212 = arith.constant 0.000000e+00 : f32
    %broadcast_in_dim3A_213 = vector.broadcast %jit3A_212 : f32 to vector<1024x1xf32>
    %select_n3A_214 = arith.select %ne3A_211, %broadcast_in_dim3A_213, %add3A_210 : vector<1024x1xi1>, vector<1024x1xf32>
    %eq3A_215 = arith.constant 0x7F800000 : f32
    %eq3A_216 = vector.broadcast %eq3A_215 : f32 to vector<1024x1xf32>
    %eq3A_217 = arith.cmpf oeq, %select_n3A_214, %eq3A_216 : vector<1024x1xf32>
    %jit3A_218 = arith.constant 3.40282347E+38 : f32
    %broadcast_in_dim3A_219 = vector.broadcast %jit3A_218 : f32 to vector<1024x1xf32>
    %select_n3A_220 = arith.select %eq3A_217, %broadcast_in_dim3A_219, %select_n3A_214 : vector<1024x1xi1>, vector<1024x1xf32>
    %eq3A_221 = arith.constant 0xFF800000 : f32
    %eq3A_222 = vector.broadcast %eq3A_221 : f32 to vector<1024x1xf32>
    %eq3A_223 = arith.cmpf oeq, %select_n3A_220, %eq3A_222 : vector<1024x1xf32>
    %jit3A_224 = arith.constant -3.40282347E+38 : f32
    %broadcast_in_dim3A_225 = vector.broadcast %jit3A_224 : f32 to vector<1024x1xf32>
    %select_n3A_226 = arith.select %eq3A_223, %broadcast_in_dim3A_225, %select_n3A_220 : vector<1024x1xi1>, vector<1024x1xf32>
    %swap3A = arith.constant 0 : index
    %swap3A_227 = arith.constant 0 : index
    %swap3A_228 = vector.load %arg12[%swap3A, %swap3A_227] : memref<1024x1xf32, #tpu.memory_space<vmem>>, vector<1024x1xf32>
    tpu.vector_store %arg12[%swap3A, %swap3A_227], %select_n3A_226 {strides = array<i32>} : memref<1024x1xf32, #tpu.memory_space<vmem>>, vector<1024x1xf32>,
    return
  }
}

</mosaic_0001>

<sc_bundles>
// kernel: kernel.5.cloned.1.call-start
scs
__scs_entry_jumppad:
0x0: {  	(pc) =	sbr.rel $0x88, $3  }
0x1: {  	(tag) =	ssettag $0x0;
	lr =	simm.s32 $0x1  }
0x2: {  	[smem:$0x3F93] =	sst lr;
	_ =	strace $0xD0000000  }
0x3: {  	_ = 	snop  }
0x4: {  	_ = 	snop  }
0x5: {  	_ = 	snop  }
0x6: {  	_ = 	snop  }
0x7: {  	_ = 	snop  }
__scs_overlays_trampoline_lowered:
0x8: {  	[smem:$0x3FA2] =	sst s0  }
0x9: {  	[smem:$0x3FA3] =	sst s1  }
0xa: {  	[smem:$0x3FA4] =	sst s2  }
0xb: {  	[smem:$0x3FA5] =	sst s3  }
0xc: {  	[smem:$0x3FA6] =	sst s4  }
0xd: {  	[smem:$0x3FA7] =	sst s5  }
0xe: {  	[smem:$0x3FA8] =	sst s6  }
0xf: {  	[smem:$0x3FA9] =	sst s7  }
0x10: {  	[smem:$0x3FAA] =	sst s8  }
0x11: {  	[smem:$0x3FAB] =	sst s9;
	s0 =	simm.s32 @!p0 $0x0  }
0x12: {  	s1 =	sld [smem:$0x3F91];
	s0 =	simm.s32 @p0 $0x1  }
0x13: {  	[smem:$0x3FAC] =	sst s0;
	s0 =	simm.s32 @!p1 $0x0  }
0x14: {  	s2 =	sld [smem:$0x3F90];
	s0 =	simm.s32 @p1 $0x1  }
0x15: {  	[smem:$0x3FAD] =	sst s0;
	s0 =	simm.s32 @!p2 $0x0  }
0x16: {  	s3 =	sld [smem:$0x3FDB];
	s0 =	simm.s32 @p2 $0x1  }
0x17: {  	s4 =	simm.s32 $0x1BF5;
	[smem:$0x3FAF] =	sst s0  }
0x18: {  	s0 =	sld [smem:$0x3F92];
	_ =	swait.ge [sflag:s4], $0x0  }
0x19: {  	s7 =	sld [smem:$0x3F93]  }
0x1a: {  	s8 =	sadd.s32 $0xFFFFE003, lr  }
0x1b: {  	s9 =	sadd.s32 $0xFFFFFEF7, lr;
	s5 =	simm.s32 $0xFFFFFFFF;
	p2 =	slt.u32 s8, $0xFFFFF086  }
0x1c: {  	p1 =	slt.u32 s9, $0xF7A;
	s5 =	simm.s32 @!p2 $0x0  }
0x1d: {  	s5 =	simm.s32 @p1 $0x1;
	p0 =	seq.s32 s7, s2  }
0x1e: {  	s7 =	smul.u32 @!p0 $0xF7A, s2;
	p2 =	seq.s32 @!p0 s5, $0x0  }
0x1f: {  	s9 =	smul.u32 $0xF7A, s1;
	s8 =	simm.s32 @!p0 $0x1BF5;
	p2 =	por !p2, p0  }
0x20: {  	[sflag:s8] =	ssyncset.s32 @!p0 $0xFFFFF086;
	s6 =	sadd.s32 @!p0 s3, s7;
	s7 =	simm.s32 @!p0 $0x108  }
0x21: {  	s3 =	sadd.s32 s3, s9;
	s6 =	sadd.s32 @!p0 $0x88, s6;
	s7 =	simm.s32 @p2 $0x1082  }
0x22: {  	[simem:s7], [sflag:s8] =	dma.local @!p0 [hbm:s6], $0xF7A  }
0x23: {  	s9 =	sor.u32 $0xD0000000, s2;
	s6 =	simm.s32 $0x108;
	_ =	swait.ge @!p0 [sflag:s8], $0x0  }
0x24: {  	s3 =	sadd.s32 $0x88, s3;
	s6 =	simm.s32 @!p1 $0x1082;
	[sflag:s4] =	ssyncset.s32 $0xFFFFF086  }
0x25: {  	[simem:s6], [sflag:s4] =	dma.local [hbm:s3], $0xF7A  }
0x26: {  	[smem:$0x3F93] =	sst s1;
	(tag) =	ssettag s2;
	_ =	strace s9  }
0x27: {  	s1 =	sld [smem:$0x3FA3]  }
0x28: {  	s2 =	sld [smem:$0x3FA4]  }
0x29: {  	s4 =	sld [smem:$0x3FA6]  }
0x2a: {  	p0 =	seq.s32 s5, $0x0;
	s5 =	sld [smem:$0x3FA7]  }
0x2b: {  	s6 =	sld [smem:$0x3FA8]  }
0x2c: {  	s7 =	sld [smem:$0x3FA9]  }
0x2d: {  	s3 =	simm.s32 $0x108;
	s8 =	sld [smem:$0x3FAA]  }
0x2e: {  	s3 =	simm.s32 @!p0 $0x1082;
	s9 =	sld [smem:$0x3FAB]  }
0x2f: {  	lr =	sadd.s32 s0, s3;
	s0 =	sld [smem:$0x3FA2]  }
0x30: {  	s3 =	sld [smem:$0x3FA5]  }
0x31: {  	[smem:$0x3FAE] =	sst s10  }
0x32: {  	s10 =	sld [smem:$0x3FAC];
	_ =	sdelay $0x3  }
0x33: {  	p0 =	seq.s32 s10, $0x1;
	s10 =	sld [smem:$0x3FAE];
	_ =	sdelay $0x3  }
0x34: {  	[smem:$0x3FAE] =	sst s10  }
0x35: {  	s10 =	sld [smem:$0x3FAD];
	_ =	sdelay $0x3  }
0x36: {  	p1 =	seq.s32 s10, $0x1;
	s10 =	sld [smem:$0x3FAE];
	_ =	sdelay $0x3  }
0x37: {  	[smem:$0x3FAE] =	sst s10  }
0x38: {  	s10 =	sld [smem:$0x3FAF]  }
0x39: {  	_ = 	snop;
	(pc) =	sbr.ind lr, $3  }
0x3a: {  	_ = 	snop  }
0x3b: {  	_ = 	snop  }
0x3c: {  	p2 =	seq.s32 s10, $0x1;
	s10 =	sld [smem:$0x3FAE]  }
0x3d: {  	_ =	shalt  }
0x3e: {  	_ =	shalt  }
0x3f: {  	_ =	shalt  }
0x40: {  	_ =	shalt  }
0x41: {  	_ =	shalt  }
0x42: {  	_ =	shalt  }
0x43: {  	_ =	shalt  }
0x44: {  	_ =	shalt  }
0x45: {  	_ =	shalt  }
0x46: {  	_ =	shalt  }
0x47: {  	_ =	shalt  }
0x48: {  	_ =	shalt  }
0x49: {  	_ =	shalt  }
0x4a: {  	_ =	shalt  }
0x4b: {  	_ =	shalt  }
0x4c: {  	_ =	shalt  }
0x4d: {  	_ =	shalt  }
0x4e: {  	_ =	shalt  }
0x4f: {  	_ =	shalt  }
0x50: {  	_ =	shalt  }
0x51: {  	_ =	shalt  }
0x52: {  	_ =	shalt  }
0x53: {  	_ =	shalt  }
0x54: {  	_ =	shalt  }
0x55: {  	_ =	shalt  }
0x56: {  	_ =	shalt  }
0x57: {  	_ =	shalt  }
0x58: {  	_ =	shalt  }
0x59: {  	_ =	shalt  }
0x5a: {  	_ =	shalt  }
0x5b: {  	_ =	shalt  }
0x5c: {  	_ =	shalt  }
0x5d: {  	_ =	shalt  }
0x5e: {  	_ =	shalt  }
0x5f: {  	_ =	shalt  }
0x60: {  	_ =	shalt  }
0x61: {  	_ =	shalt  }
0x62: {  	_ =	shalt  }
0x63: {  	_ =	shalt  }
0x64: {  	_ =	shalt  }
0x65: {  	_ =	shalt  }
0x66: {  	_ =	shalt  }
0x67: {  	_ =	shalt  }
0x68: {  	_ =	shalt  }
0x69: {  	_ =	shalt  }
0x6a: {  	_ =	shalt  }
0x6b: {  	_ =	shalt  }
0x6c: {  	_ =	shalt  }
0x6d: {  	_ =	shalt  }
0x6e: {  	_ =	shalt  }
0x6f: {  	_ =	shalt  }
0x70: {  	_ =	shalt  }
0x71: {  	_ =	shalt  }
0x72: {  	_ =	shalt  }
0x73: {  	_ =	shalt  }
0x74: {  	_ =	shalt  }
0x75: {  	_ =	shalt  }
0x76: {  	_ =	shalt  }
0x77: {  	_ =	shalt  }
0x78: {  	_ =	shalt  }
0x79: {  	_ =	shalt  }
0x7a: {  	_ =	shalt  }
0x7b: {  	_ =	shalt  }
0x7c: {  	_ =	shalt  }
0x7d: {  	_ =	shalt  }
0x7e: {  	_ =	shalt  }
0x7f: {  	_ =	shalt  }
0x80: {  	_ =	shalt  }
0x81: {  	_ =	shalt  }
0x82: {  	_ =	shalt  }
0x83: {  	_ =	shalt  }
0x84: {  	_ =	shalt  }
0x85: {  	_ =	shalt  }
0x86: {  	_ =	shalt  }
0x87: {  	_ =	shalt  }
.Lfunc_end0:
.L_simem_size_0:
called_computation_lowered:
.L_overlay_start_0:
0x88: {  	s2 =	sld [smem:$0x3FD9]  }
0x89: {  	s3 =	sld [smem:$0x3FFE];
	_ =	sdelay $0x1  }
0x8a: {  	s1 =	srdreg.scid  }
0x8b: {  	s0 =	sand.u32 $0x1, s1  }
0x8c: {  	s16 =	sshll.u32 s0, $0xA;
	s2 =	sadd.s32 s3, s2  }
0x8d: {  	s2 =	sadd.s32 s2, s16  }
0x8e: {  	[smem:$0x3FBA] =	sst s2  }
0x8f: {  	_ = 	snop  }
0x90: {  	(tm) =	ssettm $0x1  }
0x91: {  	s17 =	sld [smem:$0x3FFB];
	_ =	sdelay $0x3  }
0x92: {  	_ =	strace s17  }
0x93: {  	s2 =	sld [smem:$0x3FFC];
	_ =	sdelay $0x3  }
0x94: {  	_ =	strace s2  }
0x95: {  	s2 =	sld [smem:$0x3FFD];
	_ =	sdelay $0x3  }
0x96: {  	_ =	strace s2  }
0x97: {  	_ =	strace $0x8FFFFFFF  }
0x98: {  	s18 =	sld [smem:$0x3FDB];
	_ =	sdelay $0x1  }
0x99: {  	s19 =	simm.s32 $_scs_section_size  }
0x9a: {  	s4 =	simm.s32 $_size__tile_overlayer_lowered;
	s5 =	simm.s32 $_tile_overlayer_lowered  }
0x9b: {  	s22 =	simm.s32 $0x1BFF;
	s21 =	sshll.u32 s5, $0x1;
	s2 =	sadd.s32 s19, s18  }
0x9c: {  	s6 =	simm.s32 $0x0;
	s20 =	sshll.u32 s4, $0x1;
	s4 =	sadd.s32 s21, s2  }
0x9d: {  	[timem:s6], [sflag:s22] =	dma.local [hbm:s4], s20  }
0x9e: {  	_ =	swait.ge [sflag:s22], s20  }
0x9f: {  	s3 =	ssub.s32 $0x0, s20;
	[sflag:s22] =	ssyncset.done $0x0  }
0xa0: {  	[sflag:s22] =	ssyncadd.s32 s3;
	_ =	sdelay $0x1  }
0xa1: {  	s23 =	simm.s32 $0x1B8B  }
0xa2: {  	_ =	swait.ge [sflag:s23], $0x1  }
0xa3: {  	[sflag:s23] =	ssyncset.done $0x0  }
0xa4: {  	s25 =	simm.s32 $0x1B8E;
	s24 =	sld [smem:$0x3FFE];
	[sflag:s23] =	ssyncadd.s32 $0xFFFFFFFF  }
0xa5: {  	s26 =	simm.s32 $execute0_lowered;
	[smem:$0x3FD2] =	sst s25  }
0xa6: {  	s4 =	sshll.u32 s26, $0x1;
	_ =	strace $0x80000046;
	[dreg:$0x1] =	wrdreg $0xFFFFFFFF  }
0xa7: {  	s28 =	simm.s32 $_size_execute0_lowered;
	s2 =	sadd.s32 s2, s4;
	[dreg:$0x0] =	wrdreg $0x0  }
0xa8: {  	s4 =	sshll.u32 s28, $0x1;
	[dreg:$0x2] =	wrdreg s2  }
0xa9: {  	[dreg:$0x3] =	wrdreg s4  }
0xaa: {  	[dreg:$0x4] =	wrdreg $0xC0  }
0xab: {  	_ =	task [dreg:s6], $0x5FFFF  }
0xac: {  	[dreg:$0x1] =	wrdreg $0xFFFFFFFF  }
0xad: {  	[dreg:$0x0] =	wrdreg $0x60  }
0xae: {  	[dreg:$0x2] =	wrdreg s24  }
0xaf: {  	[dreg:$0x3] =	wrdreg $0x9  }
0xb0: {  	_ =	task.clear_ibuf [dreg:s6], $0x4FFFF;
	_ =	strace $0x90000046  }
0xb1: {  	s29 =	simm.s32 $0x9;
	_ =	strace $0x80000048  }
0xb2: {  	_ =	swait.ge [sflag:s29], $0x1  }
0xb3: {  	[sflag:s29] =	ssyncadd.s32 $0xFFFFFFFF  }
0xb4: {  	_ =	strace $0x90000048  }
0xb5: {  	_ =	sfence  }
0xb6: {  	s30 =	sld [smem:$0x0];
	_ =	sdelay $0x2  }
0xb7: {  	s31 =	sshll.u32 s1, $0xD;
	s1 =	sshrl.u32 s1, $0x2  }
0xb8: {  	s3 =	sand.u32 $0x4000, s31;
	s1 =	sadd.s32 s1, s30  }
0xb9: {  	s0 =	sor.u32 s3, s0;
	s1 =	sshll.u32 s1, $0x11  }
0xba: {  	s0 =	sor.u32 s1, s0  }
0xbb: {  	s0 =	sadd.s32 $0x8F2B, s0  }
0xbc: {  	[sflag:s0] =	ssyncadd.remote.s32 $0x1  }
0xbd: {  	_ =	sfence.sel $0xFFFF  }
0xbe: {  	[dreg:$0x0] =	wrdreg $0xFFFFFFFF;
	(pc) =	sbr.abs _section_cstart, $3  }
0xbf: {  	[dreg:$0x1] =	wrdreg $0xFFFFFFFF  }
0xc0: {  	_ =	task.clear_ibuf [dreg:s6], $0x2FFFF;
	_ =	strace $0x9FFFFFFF  }
0xc1: {  	(tm) =	ssettm $0x7FFFFFFF  }
tec
execute0_lowered:
.L_overlay_start_1:
0x0: {  	(tag) =	ssettag $0x1  }
0x1: {  	s4 =	rddreg [dreg:$0x0]  }
0x2: {  	s0 =	rddreg [dreg:$0x1];
	s3 =	srdreg.scid  }
0x3: {  	s1 =	stileid.u32;
	s2 =	simm.s32 $0x0;
	s10 =	simm.s32 $0x80  }
0x4: {  	s11 =	simm.s32 $0xC800;
	s12 =	simm.s32 $0xFA00;
	s13 =	simm.s32 $0x48  }
0x5: {  	s14 =	simm.s32 $0xD800;
	s15 =	simm.s32 $0x6480;
	s16 =	simm.s32 $0x10A00  }
0x6: {  	s17 =	simm.s32 $0x1;
	s18 =	simm.s32 $0xE100;
	s19 =	simm.s32 $0x11300  }
0x7: {  	s20 =	simm.s32 $0xF100;
	s21 =	simm.s32 $0x12300;
	s22 =	simm.s32 $0x2  }
0x8: {  	s23 =	simm.s32 $0x12C00;
	s3 =	sand.u32 $0x1, s3;
	s5 =	sshll.u32 s1, $0x1  }
0x9: {  	s24 =	simm.s32 $0x0;
	[smem:$0x7FF] =	sst s2;
	s5 =	sor.u32 s3, s5  }
0xa: {  	_ =	strace $0x80000047;
	s7 =	ssub.s32 $0x2, s3;
	s6 =	smul.u32 $0xC80, s5  }
0xb: {  	s3 =	sadd.s32 $0x33A00, s4;
	s5 =	sshll.u32 s5, $0xA;
	s8 =	sshrl.u32 s7, $0x1  }
0xc: {  	s9 =	sadd.s32 s5, s4;
	s7 =	ssub.s32 s7, s8;
	s6 =	sadd.s32 s6, s4  }
0xd: {  	s8 =	simm.s32 $0x3;
	s7 =	smax.u32 s7, $0x1;
	s4 =	sadd.s32 $0x1A00, s6  }
0xe: {  	s5 =	sadd.s32 $0x1AA00, s6;
	s6 =	sadd.s32 $0x1BA400, s9;
	s9 =	simm.s32 $0x6400  }
.LBB2_1:
0xf: {  	[tilespmem:s2], [sflag:$0x3] =	stream.linear.gather [hbm4b:s4+s2], $0x6400, $0x38;
	[tilespmem:$0x14C00] =	vst v63  }
0x10: {  	_ =	swait.ge [sflag:s8], $0x6400  }
0x11: {  	[sflag:s8] =	ssyncset.done $0x0  }
0x12: {  	[sflag:s8] =	ssyncadd.s32 $0xFFFF9C00  }
0x13: {  	[tilespmem:s9], [sflag:$0x3] =	stream.linear.gather [hbm4b:s5+s2], $0x6400, $0x38;
	[tilespmem:$0x14C00] =	vst v63  }
0x14: {  	_ =	swait.ge [sflag:s8], $0x6400  }
0x15: {  	[sflag:s8] =	ssyncset.done $0x0  }
0x16: {  	[sflag:s8] =	ssyncadd.s32 $0xFFFF9C00  }
0x17: {  	[tilespmem:s11], [sflag:$0x1] =	stream.indirect.gather [hbm4b:s3+s10], $0x20, s2, s10, $0xb8;
	[tilespmem:$0x14C00] =	vst v63  }
0x18: {  	_ = 	snop  }
0x19: {  	[tilespmem:s12], [sflag:$0x1] =	stream.indirect.gather [hbm4b:s3+s10], $0x20, s9, s10, $0xb8;
	[tilespmem:$0x14C00] =	vst v63  }
0x1a: {  	_ = 	snop  }
0x1b: {  	[tilespmem:s14], [sflag:$0x1] =	stream.indirect.gather [hbm4b:s3+s13], $0x20, s10, s13, $0xb8;
	[tilespmem:$0x14C00] =	vst v63  }
0x1c: {  	s25 =	simm.s32 $0x0  }
0x1d: {  	[tilespmem:s16], [sflag:$0x1] =	stream.indirect.gather [hbm4b:s3+s13], $0x20, s15, s13, $0xb8;
	[tilespmem:$0x14C00] =	vst v63  }
.LBB2_2:
0x1e: {  	_ =	swait.ge [sflag:s17], $0x1000  }
0x1f: {  	[sflag:s17] =	ssyncset.done $0x0  }
0x20: {  	[sflag:s17] =	ssyncadd.s32 $0xFFFFF000  }
0x21: {  	_ =	swait.ge [sflag:s17], $0x1000  }
0x22: {  	[sflag:s17] =	ssyncset.done $0x0  }
0x23: {  	[sflag:s17] =	ssyncadd.s32 $0xFFFFF000  }
0x24: {  	_ =	swait.ge [sflag:s17], $0x900  }
0x25: {  	s26 =	sshllo.u32 s25, $0x1;
	s28 =	sshrl.u32 s25, $0x1;
	[sflag:s17] =	ssyncset.done $0x0  }
0x26: {  	s29 =	sand.u32 $0x3, s26;
	s28 =	smul.u32 $0x320, s28;
	[sflag:s17] =	ssyncadd.s32 $0xFFFFF700  }
0x27: {  	s29 =	smul.u32 $0xC8, s29;
	_ =	swait.ge [sflag:s17], $0x900  }
0x28: {  	[sflag:s17] =	ssyncset.done $0x0  }
0x29: {  	s28 =	sadd.s32 s28, s29;
	[sflag:s17] =	ssyncadd.s32 $0xFFFFF700  }
0x2a: {  	[tilespmem:s18], [sflag:$0x2] =	stream.indirect.gather [hbm4b:s3+s10], $0x20, s28, s10, $0xb8;
	[tilespmem:$0x14C00] =	vst v63  }
0x2b: {  	s29 =	sadd.s32 $0x6400, s28  }
0x2c: {  	[tilespmem:s19], [sflag:$0x2] =	stream.indirect.gather [hbm4b:s3+s10], $0x20, s29, s10, $0xb8;
	[tilespmem:$0x14C00] =	vst v63  }
0x2d: {  	s29 =	sadd.s32 $0x80, s28  }
0x2e: {  	[tilespmem:s20], [sflag:$0x2] =	stream.indirect.gather [hbm4b:s3+s13], $0x20, s29, s13, $0xb8;
	[tilespmem:$0x14C00] =	vst v63  }
0x2f: {  	s28 =	sadd.s32 $0x6480, s28  }
0x30: {  	[tilespmem:s21], [sflag:$0x2] =	stream.indirect.gather [hbm4b:s3+s13], $0x20, s28, s13, $0xb8;
	[tilespmem:$0x14C00] =	vst v63  }
0x31: {  	s28 =	simm.s32 $0x30  }
0x32: {  	v0 =	vld [tilespmem:s28+$0xC7F0]  }
0x33: {  	v1 =	vld [tilespmem:s28+$0xF9F0]  }
0x34: {  	v2 =	vld [tilespmem:s28+$0xC800]  }
0x35: {  	v3 =	vld [tilespmem:s28+$0xFA00]  }
0x36: {  	v4 =	vld [tilespmem:s28+$0xC7D0]  }
0x37: {  	v5 =	vld [tilespmem:s28+$0xF9D0]  }
0x38: {  	v6 =	vld [tilespmem:s28+$0xC7E0]  }
0x39: {  	v7 =	vld [tilespmem:s28+$0xF9E0];
	_ =	sdelay $0x1  }
0x3a: {  	v9 =	vimm.f32 $0.0e+00  }
0x3b: {  	s29 =	simm.s32 $0x70;
	v8 =	vshll.u32 v0, $0x10;
	v10 =	vadd.f32 v1, v0;
	v11 =	vadd.f32 v3, v2  }
0x3c: {  	v12 =	vshll.u32 v1, $0x10;
	v13 =	vshll.u32 v2, $0x10;
	v3 =	vshll.u32 v3, $0x10;
	v0 =	vld [tilespmem:s29+$0xC7F0]  }
0x3d: {  	v14 =	vshll.u32 v4, $0x10;
	v4 =	vadd.f32 v5, v4;
	v15 =	vadd.f32 v7, v6;
	v1 =	vld [tilespmem:s29+$0xF9F0]  }
0x3e: {  	v5 =	vshll.u32 v5, $0x10;
	v6 =	vshll.u32 v6, $0x10;
	v2 =	vld [tilespmem:s29+$0xC800];
	v16 =	vadd.f32 v12, v8  }
0x3f: {  	v8 =	vadd.f32 v5, v14;
	v5 =	vshll.u32 v7, $0x10;
	v13 =	vadd.f32 v3, v13;
	v3 =	vld [tilespmem:s29+$0xFA00]  }
0x40: {  	v7 =	vld [tilespmem:s29+$0xF9D0];
	v6 =	vadd.f32 v5, v6;
	v14 =	vmax.f32 v10, $0.0e+00;
	v10 =	vmax.f32 v11, $0.0e+00  }
0x41: {  	v5 =	vld [tilespmem:s29+$0xC7D0];
	v4 =	vmax.f32 v4, $0.0e+00;
	v12 =	vmax.f32 v15, $0.0e+00;
	v8 =	vmax.f32 v8, $0.0e+00  }
0x42: {  	v4 =	vadd.f32 v4, v9;
	v15 =	vadd.f32 v8, v9;
	v6 =	vmax.f32 v6, $0.0e+00;
	v8 =	vld [tilespmem:s29+$0xC7E0]  }
0x43: {  	v12 =	vadd.f32 v12, v9;
	v11 =	vadd.f32 v6, v9;
	v6 =	vmax.f32 v16, $0.0e+00;
	v9 =	vld [tilespmem:s29+$0xF9E0]  }
0x44: {  	s28 =	sshll.u32 s25, $0x1;
	v13 =	vmax.f32 v13, $0.0e+00;
	s29 =	simm.s32 $0x2C0;
	v4 =	vadd.f32 v14, v4;
	v6 =	vadd.f32 v6, v15  }
.LBB2_3:
0x45: {  	p0 =	sne.s32 s29, $0x63C0;
	v11 =	vadd.f32 v13, v11;
	v12 =	vadd.f32 v10, v12  }
0x46: {  	s30 =	sshra.s32 s29, $0x2;
	v10 =	vshll.u32 v0, $0x10;
	v13 =	vadd.f32 v1, v0;
	v14 =	vadd.f32 v3, v2  }
0x47: {  	v15 =	vshll.u32 v1, $0x10;
	v16 =	vshll.u32 v2, $0x10;
	v17 =	vshll.u32 v3, $0x10;
	v0 =	vld [tilespmem:s30+$0xC7F0]  }
0x48: {  	v18 =	vshll.u32 v5, $0x10;
	v19 =	vadd.f32 v7, v5;
	v1 =	vld [tilespmem:s30+$0xF9F0];
	v20 =	vadd.f32 v9, v8  }
0x49: {  	v5 =	vshll.u32 v7, $0x10;
	v15 =	vadd.f32 v15, v10;
	v7 =	vshll.u32 v8, $0x10;
	v2 =	vld [tilespmem:s30+$0xC800]  }
0x4a: {  	v16 =	vadd.f32 v17, v16;
	v8 =	vadd.f32 v5, v18;
	v9 =	vshll.u32 v9, $0x10;
	v3 =	vld [tilespmem:s30+$0xFA00]  }
.Ltmp0:
0x4b: {  	v13 =	vmax.f32 v13, $0.0e+00;
	v10 =	vmax.f32 v14, $0.0e+00;
	v9 =	vadd.f32 v9, v7;
	v5 =	vld [tilespmem:s30+$0xC7D0];
	(pc) =	sbr.rel @p0 .LBB2_3-.Ltmp0, $4  }
0x4c: {  	v17 =	vmax.f32 v19, $0.0e+00;
	v14 =	vmax.f32 v8, $0.0e+00;
	v18 =	vmax.f32 v20, $0.0e+00;
	v7 =	vld [tilespmem:s30+$0xF9D0]  }
0x4d: {  	v4 =	vadd.f32 v17, v4;
	v6 =	vadd.f32 v14, v6;
	v14 =	vmax.f32 v9, $0.0e+00;
	v8 =	vld [tilespmem:s30+$0xC7E0]  }
0x4e: {  	v12 =	vadd.f32 v18, v12;
	v11 =	vadd.f32 v14, v11;
	v14 =	vmax.f32 v15, $0.0e+00;
	v9 =	vld [tilespmem:s30+$0xF9E0]  }
0x4f: {  	s29 =	sadd.s32 $0x100, s29;
	v4 =	vadd.f32 v13, v4;
	v13 =	vmax.f32 v16, $0.0e+00;
	v6 =	vadd.f32 v14, v6  }
0x50: {  	v11 =	vadd.f32 v13, v11  }
0x51: {  	v10 =	vadd.f32 v10, v12;
	v12 =	vshll.u32 v0, $0x10;
	v0 =	vadd.f32 v1, v0  }
0x52: {  	v13 =	vadd.f32 v3, v2;
	v1 =	vshll.u32 v1, $0x10;
	v2 =	vshll.u32 v2, $0x10  }
0x53: {  	v14 =	vshll.u32 v5, $0x10;
	v3 =	vshll.u32 v3, $0x10;
	v5 =	vadd.f32 v7, v5  }
0x54: {  	v7 =	vshll.u32 v7, $0x10;
	v1 =	vadd.f32 v1, v12;
	v2 =	vadd.f32 v3, v2  }
0x55: {  	v15 =	vshll.u32 v8, $0x10;
	v7 =	vadd.f32 v7, v14;
	v14 =	vshll.u32 v9, $0x10  }
0x56: {  	v8 =	vadd.f32 v9, v8;
	v5 =	vmax.f32 v5, $0.0e+00;
	v9 =	vadd.f32 v14, v15  }
0x57: {  	v0 =	vmax.f32 v0, $0.0e+00;
	v3 =	vmax.f32 v7, $0.0e+00;
	v4 =	vadd.f32 v5, v4  }
0x58: {  	v1 =	vmax.f32 v1, $0.0e+00;
	v3 =	vadd.f32 v3, v6;
	v6 =	vmax.f32 v9, $0.0e+00  }
0x59: {  	s29 =	sshll.u32 s25, $0x7;
	v7 =	vmax.f32 v8, $0.0e+00;
	v0 =	vadd.f32 v0, v4;
	v6 =	vadd.f32 v6, v11  }
0x5a: {  	s29 =	sand.u32 $0x3FFFFF80, s29;
	v2 =	vmax.f32 v2, $0.0e+00;
	v1 =	vadd.f32 v1, v3;
	v3 =	vadd.f32 v7, v10  }
0x5b: {  	v5 =	vmax.f32 v13, $0.0e+00;
	[tilespmem:s29+$0x12C20] =	vst v0;
	v2 =	vadd.f32 v2, v6  }
0x5c: {  	[tilespmem:s29+$0x12C00] =	vst v1;
	v1 =	vadd.f32 v5, v3  }
0x5d: {  	[tilespmem:s29+$0x12C10] =	vst v2  }
0x5e: {  	[tilespmem:s29+$0x12C30] =	vst v1  }
0x5f: {  	_ =	swait.ge [sflag:s22], $0x1000  }
0x60: {  	[sflag:s22] =	ssyncset.done $0x0  }
0x61: {  	[sflag:s22] =	ssyncadd.s32 $0xFFFFF000  }
0x62: {  	_ =	swait.ge [sflag:s22], $0x1000  }
0x63: {  	[sflag:s22] =	ssyncset.done $0x0  }
0x64: {  	p0 =	seq.s32 s25, $0x3F;
	[sflag:s22] =	ssyncadd.s32 $0xFFFFF000  }
0x65: {  	s28 =	sadd.s32 @!p0 $0x2, s28;
	_ =	swait.ge [sflag:s22], $0x900  }
0x66: {  	s29 =	sshrl.u32 @!p0 s28, $0x2;
	[sflag:s22] =	ssyncset.done $0x0  }
0x67: {  	s28 =	sand.u32 @!p0 $0x2, s28;
	s29 =	smul.u32 @!p0 $0x320, s29;
	[sflag:s22] =	ssyncadd.s32 $0xFFFFF700  }
0x68: {  	s28 =	smul.u32 @!p0 $0xC8, s28;
	_ =	swait.ge [sflag:s22], $0x900  }
0x69: {  	s30 =	simm.s32 @!p0 $0xC800;
	[sflag:s22] =	ssyncset.done $0x0  }
0x6a: {  	s28 =	sadd.s32 @!p0 s28, s29;
	s29 =	simm.s32 @!p0 $0x80;
	[sflag:s22] =	ssyncadd.s32 $0xFFFFF700  }
0x6b: {  	[tilespmem:s30], [sflag:$0x1] =	stream.indirect.gather @!p0 [hbm4b:s3+s29], $0x20, s28, s29, $0xb8;
	[tilespmem:$0x14C00] =	vst v63  }
0x6c: {  	s31 =	simm.s32 @!p0 $0xFA00;
	s30 =	sadd.s32 @!p0 $0x6400, s28  }
0x6d: {  	[tilespmem:s31], [sflag:$0x1] =	stream.indirect.gather @!p0 [hbm4b:s3+s29], $0x20, s30, s29, $0xb8;
	[tilespmem:$0x14C00] =	vst v63  }
0x6e: {  	s29 =	sadd.s32 @!p0 $0x80, s28;
	s30 =	simm.s32 @!p0 $0x48;
	s31 =	simm.s32 @!p0 $0xD800  }
0x6f: {  	[tilespmem:s31], [sflag:$0x1] =	stream.indirect.gather @!p0 [hbm4b:s3+s30], $0x20, s29, s30, $0xb8;
	[tilespmem:$0x14C00] =	vst v63  }
0x70: {  	s28 =	sadd.s32 @!p0 $0x6480, s28;
	s29 =	simm.s32 @!p0 $0x10A00  }
0x71: {  	[tilespmem:s29], [sflag:$0x1] =	stream.indirect.gather @!p0 [hbm4b:s3+s30], $0x20, s28, s30, $0xb8;
	[tilespmem:$0x14C00] =	vst v63  }
0x72: {  	s28 =	simm.s32 $0x0  }
0x73: {  	v0 =	vld [tilespmem:s28+$0xE120]  }
0x74: {  	v1 =	vld [tilespmem:s28+$0x11320]  }
0x75: {  	v2 =	vld [tilespmem:s28+$0xE130]  }
0x76: {  	v3 =	vld [tilespmem:s28+$0x11330]  }
0x77: {  	v4 =	vld [tilespmem:s28+$0xE100]  }
0x78: {  	v5 =	vld [tilespmem:s28+$0x11300]  }
0x79: {  	v6 =	vld [tilespmem:s28+$0xE110]  }
0x7a: {  	v7 =	vld [tilespmem:s28+$0x11310];
	_ =	sdelay $0x1  }
0x7b: {  	v9 =	vimm.f32 $0.0e+00  }
0x7c: {  	s28 =	simm.s32 $0x40;
	v8 =	vshll.u32 v0, $0x10;
	v10 =	vadd.f32 v1, v0;
	v11 =	vadd.f32 v3, v2  }
0x7d: {  	v12 =	vshll.u32 v1, $0x10;
	v13 =	vshll.u32 v2, $0x10;
	v3 =	vshll.u32 v3, $0x10;
	v0 =	vld [tilespmem:s28+$0xE120]  }
0x7e: {  	v14 =	vshll.u32 v4, $0x10;
	v4 =	vadd.f32 v5, v4;
	v15 =	vadd.f32 v7, v6;
	v1 =	vld [tilespmem:s28+$0x11320]  }
0x7f: {  	v5 =	vshll.u32 v5, $0x10;
	v6 =	vshll.u32 v6, $0x10;
	v2 =	vld [tilespmem:s28+$0xE130];
	v16 =	vadd.f32 v12, v8  }
0x80: {  	v7 =	vshll.u32 v7, $0x10;
	v5 =	vadd.f32 v5, v14;
	v13 =	vadd.f32 v3, v13;
	v3 =	vld [tilespmem:s28+$0x11330]  }
0x81: {  	v8 =	vadd.f32 v7, v6;
	v6 =	vld [tilespmem:s28+$0xE100];
	v14 =	vmax.f32 v10, $0.0e+00;
	v10 =	vmax.f32 v11, $0.0e+00  }
0x82: {  	v7 =	vld [tilespmem:s28+$0x11300];
	v4 =	vmax.f32 v4, $0.0e+00;
	v12 =	vmax.f32 v15, $0.0e+00;
	v5 =	vmax.f32 v5, $0.0e+00  }
0x83: {  	v4 =	vadd.f32 v4, v9;
	v11 =	vmax.f32 v8, $0.0e+00;
	v8 =	vld [tilespmem:s28+$0xE110];
	v5 =	vadd.f32 v5, v9  }
0x84: {  	v12 =	vadd.f32 v12, v9;
	v15 =	vmax.f32 v16, $0.0e+00;
	v11 =	vadd.f32 v11, v9;
	v9 =	vld [tilespmem:s28+$0x11310]  }
0x85: {  	v13 =	vmax.f32 v13, $0.0e+00;
	s28 =	simm.s32 $0x200;
	v4 =	vadd.f32 v14, v4;
	v5 =	vadd.f32 v15, v5  }
.LBB2_5:
0x86: {  	p0 =	sne.s32 s28, $0x6300;
	v11 =	vadd.f32 v13, v11;
	v12 =	vadd.f32 v10, v12  }
0x87: {  	s29 =	sshra.s32 s28, $0x2;
	v10 =	vshll.u32 v0, $0x10;
	v13 =	vadd.f32 v1, v0;
	v14 =	vadd.f32 v3, v2  }
0x88: {  	v15 =	vshll.u32 v1, $0x10;
	v16 =	vshll.u32 v2, $0x10;
	v17 =	vshll.u32 v3, $0x10;
	v0 =	vld [tilespmem:s29+$0xE120]  }
0x89: {  	v18 =	vshll.u32 v6, $0x10;
	v19 =	vadd.f32 v7, v6;
	v1 =	vld [tilespmem:s29+$0x11320];
	v20 =	vadd.f32 v9, v8  }
0x8a: {  	v6 =	vshll.u32 v7, $0x10;
	v15 =	vadd.f32 v15, v10;
	v7 =	vshll.u32 v8, $0x10;
	v2 =	vld [tilespmem:s29+$0xE130]  }
0x8b: {  	v16 =	vadd.f32 v17, v16;
	v8 =	vadd.f32 v6, v18;
	v9 =	vshll.u32 v9, $0x10;
	v3 =	vld [tilespmem:s29+$0x11330]  }
.Ltmp1:
0x8c: {  	v13 =	vmax.f32 v13, $0.0e+00;
	v10 =	vmax.f32 v14, $0.0e+00;
	v9 =	vadd.f32 v9, v7;
	v6 =	vld [tilespmem:s29+$0xE100];
	(pc) =	sbr.rel @p0 .LBB2_5-.Ltmp1, $4  }
0x8d: {  	v17 =	vmax.f32 v19, $0.0e+00;
	v14 =	vmax.f32 v8, $0.0e+00;
	v18 =	vmax.f32 v20, $0.0e+00;
	v7 =	vld [tilespmem:s29+$0x11300]  }
0x8e: {  	v4 =	vadd.f32 v17, v4;
	v5 =	vadd.f32 v14, v5;
	v14 =	vmax.f32 v9, $0.0e+00;
	v8 =	vld [tilespmem:s29+$0xE110]  }
0x8f: {  	v12 =	vadd.f32 v18, v12;
	v11 =	vadd.f32 v14, v11;
	v14 =	vmax.f32 v15, $0.0e+00;
	v9 =	vld [tilespmem:s29+$0x11310]  }
0x90: {  	s28 =	sadd.s32 $0x100, s28;
	v4 =	vadd.f32 v13, v4;
	v13 =	vmax.f32 v16, $0.0e+00;
	v5 =	vadd.f32 v14, v5  }
0x91: {  	v11 =	vadd.f32 v13, v11  }
0x92: {  	v10 =	vadd.f32 v10, v12;
	v47 =	vshll.u32 v0, $0x10;
	v48 =	vadd.f32 v1, v0  }
0x93: {  	v49 =	vadd.f32 v3, v2;
	v50 =	vshll.u32 v1, $0x10;
	v51 =	vshll.u32 v2, $0x10  }
0x94: {  	v14 =	vshll.u32 v6, $0x10;
	v55 =	vshll.u32 v3, $0x10;
	v52 =	vadd.f32 v7, v6  }
0x95: {  	v53 =	vshll.u32 v7, $0x10;
	v1 =	vadd.f32 v50, v47;
	v2 =	vadd.f32 v55, v51  }
0x96: {  	v15 =	vshll.u32 v8, $0x10;
	v7 =	vadd.f32 v53, v14;
	v0 =	vmax.f32 v48, $0.0e+00  }
0x97: {  	v54 =	vshll.u32 v9, $0x10;
	v56 =	vadd.f32 v9, v8;
	v6 =	vmax.f32 v52, $0.0e+00  }
0x98: {  	v57 =	vadd.f32 v54, v15;
	v58 =	vmax.f32 v7, $0.0e+00;
	v4 =	vadd.f32 v6, v4  }
0x99: {  	s25 =	sadd.s32 $0x1, s25;
	v1 =	vmax.f32 v1, $0.0e+00;
	v3 =	vadd.f32 v58, v5;
	v60 =	vmax.f32 v56, $0.0e+00  }
0x9a: {  	s26 =	sshll.u32 s26, $0x6;
	p0 =	sne.s32 s25, $0x40;
	v59 =	vmax.f32 v57, $0.0e+00;
	v61 =	vadd.f32 v60, v10;
	v0 =	vadd.f32 v0, v4  }
.Ltmp2:
0x9b: {  	s26 =	sand.u32 $0x3FFFFFC0, s26;
	v62 =	vmax.f32 v49, $0.0e+00;
	v5 =	vadd.f32 v59, v11;
	v1 =	vadd.f32 v1, v3;
	(pc) =	sbr.rel @p0 .LBB2_2-.Ltmp2, $4  }
0x9c: {  	v2 =	vmax.f32 v2, $0.0e+00;
	v63 =	vadd.f32 v62, v61;
	[tilespmem:s26+$0x12C20] =	vst v0  }
0x9d: {  	v2 =	vadd.f32 v2, v5;
	[tilespmem:s26+$0x12C00] =	vst v1  }
0x9e: {  	[tilespmem:s26+$0x12C30] =	vst v63  }
0x9f: {  	[tilespmem:s26+$0x12C10] =	vst v2  }
0xa0: {  	s24 =	sadd.s32 $0x1, s24  }
0xa1: {  	p0 =	sne.s32 s24, s7  }
.Ltmp3:
0xa2: {  	_ = 	snop;
	(pc) =	sbr.rel @p0 .LBB2_1-.Ltmp3, $4  }
0xa3: {  	[hbm4b:s6+s2] =	stream.linear.scatter [tilespmem:s23], [sflag:$0x3], $0x2000, $0x38;
	[tilespmem:$0x14C00] =	vst v63  }
0xa4: {  	_ =	swait.ge [sflag:s8], $0x2000  }
0xa5: {  	[sflag:s8] =	ssyncset.done $0x0  }
0xa6: {  	[sflag:s8] =	ssyncadd.s32 $0xFFFFE000  }
0xa7: {  	_ =	sfence.sel $0x180000  }
0xa8: {  	[bflag:$0x0] =	sbarrier.arrive $0xFFFF  }
0xa9: {  	p0 =	sne.s32 s1, $0x0;
	_ =	strace $0x90000047  }
0xaa: {  	s0 =	sadd.s32 @!p0 $0x100000, s0;
	[bflag:$0x2] =	sbarrier.arrive $0xFFFF  }
0xab: {  	[sflag:s0] =	ssyncadd.tile.s32 @!p0 $0x1;
	_ =	shalt  }
.Lfunc_end2:
_tile_overlayer_lowered:
.L_overlay_start_2:
0xac: {  	(tag) =	ssettag $0x2  }
0xad: {  	s0 =	rddreg [dreg:$0x0];
	s2 =	stileid.u32  }
0xae: {  	s1 =	rddreg [dreg:$0x1];
	p0 =	sne.s32 s2, $0x0  }
0xaf: {  	s3 =	rddreg [dreg:$0x2];
	[bflag:$0x3] =	sbarrier.arrive $0xFFFF;
	s2 =	simm.s32 @!p0 $0x1C03  }
0xb0: {  	[timem:s3], [sflag:s2] =	dma.local @!p0 [hbm:s0], s1  }
0xb1: {  	s0 =	simm.s32 @!p0 $0x3  }
0xb2: {  	_ =	swait.ge @!p0 [sflag:s0], s1  }
0xb3: {  	s1 =	ssub.s32 @!p0 $0x0, s1;
	[sflag:s0] =	ssyncset.done @!p0 $0x0  }
0xb4: {  	[sflag:s0] =	ssyncadd.s32 @!p0 s1  }
0xb5: {  	[bflag:$0x3] =	sbarrier.arrive $0xFFFF  }
0xb6: {  	_ =	shalt  }

</sc_bundles>
